<compile_context>
chip_gen: v7x
topology: tpu7x:2x2x1
jax: 0.10.2.dev20260603
libtpu: 0.0.44.dev20260713+nightly
codegen_flags: <defaults>
</compile_context>

<pallas_src>
import jax
import jax.numpy as jnp
from jax import lax
from jax.experimental import pallas as pl
from jax.experimental.pallas import tpu as pltpu
from jax.experimental.pallas import tpu_sc as plsc

N = 10000
E = 320000
D = 128
G = 128
CHUNK = 80
NUM_CHUNKS = E // CHUNK
NC, NS = 2, 16
NW = NC * NS
TILE_CHUNKS = NUM_CHUNKS // NW
RCHUNKS = N // CHUNK
RC_PER_TILE = -(-RCHUNKS // NS)


def _sc_h_body(node_hbm, src_hbm, dst_hbm, edge_hbm, zrow_hbm, h_out,
               src_idx0, dst_idx0, gath_v0, edge_v0,
               src_idx1, dst_idx1, gath_v1, edge_v1,
               h_sh, semg0, seme0, semg1, seme1):
  cid = lax.axis_index("c")
  sid = lax.axis_index("s")
  wid = sid * NC + cid

  bufs = ((src_idx0, dst_idx0, gath_v0, edge_v0, semg0, seme0),
          (src_idx1, dst_idx1, gath_v1, edge_v1, semg1, seme1))

  pltpu.sync_copy(zrow_hbm, gath_v0)

  @pl.loop(0, RC_PER_TILE)
  def _(j):
    r = sid * RC_PER_TILE + j

    @pl.when(r < RCHUNKS)
    def _():
      pltpu.sync_copy(gath_v0, h_sh.at[pl.ds(r * CHUNK, CHUNK)])

  plsc.subcore_barrier()

  base_chunk = wid * TILE_CHUNKS

  def launch(c, b):
    src_idx, dst_idx, gath_v, edge_v, semg, seme = bufs[b]
    pltpu.sync_copy(src_hbm.at[pl.ds(c * CHUNK, CHUNK)], src_idx)
    pltpu.sync_copy(dst_hbm.at[pl.ds(c * CHUNK, CHUNK)], dst_idx)
    pltpu.async_copy(node_hbm.at[src_idx], gath_v, semg)
    pltpu.async_copy(edge_hbm.at[pl.ds(c * CHUNK, CHUNK)], edge_v, seme)

  def fire(c, b):
    src_idx, dst_idx, gath_v, edge_v, semg, seme = bufs[b]
    pltpu.make_async_copy(node_hbm.at[src_idx], gath_v, semg).wait()
    pltpu.make_async_copy(edge_hbm.at[pl.ds(c * CHUNK, CHUNK)], edge_v,
                          seme).wait()
    pltpu.sync_copy(gath_v, h_sh.at[dst_idx], add=True)
    pltpu.sync_copy(edge_v, h_sh.at[dst_idx], add=True)

  launch(base_chunk, 0)

  @pl.loop(0, (TILE_CHUNKS - 1) // 2)
  def _(j):
    c = base_chunk + 2 * j
    launch(c + 1, 1)
    fire(c, 0)
    launch(c + 2, 0)
    fire(c + 1, 1)

  fire(base_chunk + TILE_CHUNKS - 1, 0)

  plsc.subcore_barrier()

  @pl.loop(0, RC_PER_TILE)
  def _(j):
    r = sid * RC_PER_TILE + j

    @pl.when(r < RCHUNKS)
    def _():
      pltpu.sync_copy(h_sh.at[pl.ds(r * CHUNK, CHUNK)], gath_v0)
      pltpu.sync_copy(gath_v0, h_out.at[cid, pl.ds(r * CHUNK, CHUNK)])


def _sc_deg_body(dst_hbm, zdeg_hbm, ones_hbm, deg_out,
                 dst_idx, deg_b, ones_v, deg_sh):
  cid = lax.axis_index("c")
  sid = lax.axis_index("s")
  wid = sid * NC + cid

  pltpu.sync_copy(zdeg_hbm, deg_b)
  pltpu.sync_copy(ones_hbm, ones_v)

  @pl.loop(0, RC_PER_TILE)
  def _(j):
    r = sid * RC_PER_TILE + j

    @pl.when(r < RCHUNKS)
    def _():
      pltpu.sync_copy(deg_b, deg_sh.at[pl.ds(r * CHUNK, CHUNK)])

  plsc.subcore_barrier()

  base_chunk = wid * TILE_CHUNKS

  @pl.loop(0, TILE_CHUNKS)
  def _(j):
    c = base_chunk + j
    pltpu.sync_copy(dst_hbm.at[pl.ds(c * CHUNK, CHUNK)], dst_idx)
    pltpu.sync_copy(ones_v, deg_sh.at[dst_idx], add=True)

  plsc.subcore_barrier()

  @pl.loop(0, RC_PER_TILE)
  def _(j):
    r = sid * RC_PER_TILE + j

    @pl.when(r < RCHUNKS)
    def _():
      pltpu.sync_copy(deg_sh.at[pl.ds(r * CHUNK, CHUNK)], deg_b)
      pltpu.sync_copy(deg_b, deg_out.at[cid, pl.ds(r * CHUNK, CHUNK)])


def _segment_sums(node_fea, src, dst, edge_fea, zrow, zdeg, ones):
  mesh = plsc.VectorSubcoreMesh(core_axis_name="c", subcore_axis_name="s")
  run_h = pl.kernel(
      _sc_h_body,
      out_type=jax.ShapeDtypeStruct((NC, N, D), jnp.float32),
      mesh=mesh,
      scratch_types=[
          pltpu.VMEM((CHUNK,), jnp.int32),
          pltpu.VMEM((CHUNK,), jnp.int32),
          pltpu.VMEM((CHUNK, D), jnp.float32),
          pltpu.VMEM((CHUNK, D), jnp.float32),
          pltpu.VMEM((CHUNK,), jnp.int32),
          pltpu.VMEM((CHUNK,), jnp.int32),
          pltpu.VMEM((CHUNK, D), jnp.float32),
          pltpu.VMEM((CHUNK, D), jnp.float32),
          pltpu.VMEM_SHARED((N, D), jnp.float32),
          pltpu.SemaphoreType.DMA,
          pltpu.SemaphoreType.DMA,
          pltpu.SemaphoreType.DMA,
          pltpu.SemaphoreType.DMA,
      ],
  )
  run_deg = pl.kernel(
      _sc_deg_body,
      out_type=jax.ShapeDtypeStruct((NC, N, G), jnp.float32),
      mesh=mesh,
      scratch_types=[
          pltpu.VMEM((CHUNK,), jnp.int32),
          pltpu.VMEM((CHUNK, G), jnp.float32),
          pltpu.VMEM((CHUNK, G), jnp.float32),
          pltpu.VMEM_SHARED((N, G), jnp.float32),
      ],
  )
  return run_h(node_fea, src, dst, edge_fea, zrow), run_deg(dst, zdeg, ones)


def _tc_body(hp_ref, dp_ref, node_ref, wt_ref, b_ref, out_ref):
  h = hp_ref[0] + hp_ref[1]
  deg = dp_ref[0, :, :1] + dp_ref[1, :, :1]
  rst = jnp.dot(h, wt_ref[...], preferred_element_type=jnp.float32) + b_ref[...]
  scale = lax.rsqrt(jnp.maximum(deg, 1.0))
  out_ref[...] = rst * scale + node_ref[...]


def _finalize(h_part, deg_part, node_fea, Wt, b2):
  R = 2000
  grid = N // R
  return pl.pallas_call(
      _tc_body,
      grid=(grid,),
      in_specs=[
          pl.BlockSpec((NC, R, D), lambda i: (0, i, 0)),
          pl.BlockSpec((NC, R, G), lambda i: (0, i, 0)),
          pl.BlockSpec((R, D), lambda i: (i, 0)),
          pl.BlockSpec((D, D), lambda i: (0, 0)),
          pl.BlockSpec((1, D), lambda i: (0, 0)),
      ],
      out_specs=pl.BlockSpec((R, D), lambda i: (i, 0)),
      out_shape=jax.ShapeDtypeStruct((N, D), jnp.float32),
  )(h_part, deg_part, node_fea, Wt, b2)


@jax.jit
def kernel(node_fea, edge_index, edge_fea, W, b):
  src = edge_index[0]
  dst = edge_index[1]
  zrow = jnp.zeros((CHUNK, D), jnp.float32)
  zdeg = jnp.zeros((CHUNK, G), jnp.float32)
  ones = jnp.ones((CHUNK, G), jnp.float32)
  h_part, deg_part = _segment_sums(node_fea, src, dst, edge_fea, zrow, zdeg,
                                   ones)
  return _finalize(h_part, deg_part, node_fea, W.T, b.reshape(1, D))

# --- scband reference (transcript-rebuilt; emitter-appended) ---
"""Pipeline reference for scband-graph-conv-16862041604212 (READ-ONLY COPY).

The authoritative reference and input builder live on the scoring server;
editing this copy changes nothing except your own understanding.
"""

import jax, jax.numpy as jnp
import numpy as np

N = 10000
E = 320000
D_IN = 128
D_OUT = 128


def setup_inputs(seed: int = 0) -> dict:
    key = jax.random.key(seed)
    k1, k2, k3, k4, k5 = jax.random.split(key, 5)
    node_fea = jax.random.normal(k1, (N, D_IN), dtype=jnp.float32)
    edge_index = jax.random.randint(k2, (2, E), 0, N, dtype=jnp.int32)
    edge_fea = jax.random.normal(k3, (E, D_IN), dtype=jnp.float32)
    # nn.Linear(in_dim, out_dim) parameters (kaiming-uniform-ish init)
    bound = 1.0 / np.sqrt(D_IN)
    W = jax.random.uniform(k4, (D_OUT, D_IN), dtype=jnp.float32, minval=-bound, maxval=bound)
    b = jax.random.uniform(k5, (D_OUT,), dtype=jnp.float32, minval=-bound, maxval=bound)
    return {"node_fea": node_fea, "edge_index": edge_index, "edge_fea": edge_fea, "W": W, "b": b}


def reference(node_fea, edge_index, edge_fea, W, b):
    src = edge_index[0]
    dst = edge_index[1]

    # out-degree normalization of feat_src (computed in the original module but
    # then discarded, because graph.srcdata['h'] is overwritten with raw node_fea)
    out_deg = jnp.clip(jnp.bincount(src, length=N).astype(jnp.float32), 1.0, None)
    _feat_src_normed = node_fea * (out_deg ** -0.5)[:, None]  # unused, matches original

    # update_all(u_add_e('h','e','m'), sum('m','h')):
    # message per edge = h_src + e, then sum-aggregate at dst node
    m = node_fea[src] + edge_fea
    h = jax.ops.segment_sum(m, dst, num_segments=N)

    # apply_edges(u_add_v('h','h','e')): new edge feature (stored on graph,
    # not part of the returned output in the original forward)
    _e_new = h[src] + h[dst]

    rst = h @ W.T + b

    # in-degree normalization of rst
    in_deg = jnp.clip(jnp.bincount(dst, length=N).astype(jnp.float32), 1.0, None)
    rst = rst * (in_deg ** -0.5)[:, None]

    # residual: in_dim == out_dim -> Identity residual on feat_dst (= node_fea)
    rst = rst + node_fea

    # norm=None and activation=None, so nothing further
    return rst

if __name__ == "__main__":
    import jax
    _d = setup_inputs()
    print(jax.jit(kernel)(*tuple(_d.values())))

</pallas_src>

<mosaic_0001>
#map = affine_map<(d0, d1) -> (0, 0)>
#map1 = affine_map<(d0, d1) -> (0)>
#map2 = affine_map<(d0, d1) -> (0, 0, 0)>
module attributes {stable_mosaic.version = 14 : i64} {
  func.func @_sc_h_body(%arg0: i32, %arg1: i32, %arg2: memref<10000x128xf32, #tpu.memory_space<hbm>>, %arg3: memref<320000xi32, #tpu.memory_space<hbm>>, %arg4: memref<320000xi32, #tpu.memory_space<hbm>>, %arg5: memref<320000x128xf32, #tpu.memory_space<hbm>>, %arg6: memref<80x128xf32, #tpu.memory_space<hbm>>, %arg7: memref<2x10000x128xf32, #tpu.memory_space<hbm>>, %arg8: memref<80xi32, #tpu.memory_space<vmem>>, %arg9: memref<80xi32, #tpu.memory_space<vmem>>, %arg10: memref<80x128xf32, #tpu.memory_space<vmem>>, %arg11: memref<80x128xf32, #tpu.memory_space<vmem>>, %arg12: memref<80xi32, #tpu.memory_space<vmem>>, %arg13: memref<80xi32, #tpu.memory_space<vmem>>, %arg14: memref<80x128xf32, #tpu.memory_space<vmem>>, %arg15: memref<80x128xf32, #tpu.memory_space<vmem>>, %arg16: memref<10000x128xf32, #tpu.memory_space<vmem_shared>>, %arg17: memref<!tpu.dma_semaphore, #tpu.memory_space<semaphore_mem>>, %arg18: memref<!tpu.dma_semaphore, #tpu.memory_space<semaphore_mem>>, %arg19: memref<!tpu.dma_semaphore, #tpu.memory_space<semaphore_mem>>, %arg20: memref<!tpu.dma_semaphore, #tpu.memory_space<semaphore_mem>>) attributes {dimension_semantics = [#tpu.dimension_semantics<core_parallel>, #tpu.dimension_semantics<subcore_parallel>], iteration_bounds = array<i64: 2, 16>, scalar_prefetch = 0 : i64, scratch_operands = 13 : i64, tpu.core_type = #tpu.core_type<sc_vector_subcore>, window_params = [{transform_indices = #map}, {transform_indices = #map1}, {transform_indices = #map1}, {transform_indices = #map}, {transform_indices = #map}, {transform_indices = #map2}]} {
    %mul3A = arith.constant 2 : i32
    %mul3A_0 = arith.muli %arg1, %mul3A : i32
    %add3A = arith.addi %mul3A_0, %arg0 : i32
    "tpu.region"() ({
      %run_scoped3A = tpu.sem_alloc : memref<!tpu.dma_semaphore, #tpu.memory_space<semaphore_mem>>
      tpu.enqueue_dma source(%arg6 : memref<80x128xf32, #tpu.memory_space<hbm>>) target(%arg10 : memref<80x128xf32, #tpu.memory_space<vmem>>) target_semaphore(%run_scoped3A : memref<!tpu.dma_semaphore, #tpu.memory_space<semaphore_mem>>)
      tpu.wait_dma2 semaphore(%run_scoped3A : memref<!tpu.dma_semaphore, #tpu.memory_space<semaphore_mem>>) src(%arg6 : memref<80x128xf32, #tpu.memory_space<hbm>>) dst(%arg10 : memref<80x128xf32, #tpu.memory_space<vmem>>)
      tpu.yield
    }) : () -> ()
    %scan3A = arith.constant 0 : i32
    %scan3A_1 = arith.constant 8 : i32
    %scan3A_2 = arith.addi %scan3A, %scan3A_1 : i32
    %scan3A_3 = arith.constant 1 : i32
    scf.for %scan3A_41 = %scan3A to %scan3A_2 step %scan3A_3  : i32 {
      %mul3A_42 = arith.constant 1 : i32
      %mul3A_43 = arith.muli %scan3A_41, %mul3A_42 : i32
      %add3A_44 = arith.constant 0 : i32
      %add3A_45 = arith.addi %add3A_44, %mul3A_43 : i32
      %mul3A_46 = arith.constant 8 : i32
      %mul3A_47 = arith.muli %arg1, %mul3A_46 : i32
      %add3A_48 = arith.addi %mul3A_47, %add3A_45 : i32
      %lt3A = arith.constant 125 : i32
      %lt3A_49 = arith.cmpi slt, %add3A_48, %lt3A : i32
      %convert_element_type3A = arith.extui %lt3A_49 : i1 to i32
      %cond3A = arith.constant 0 : i32
      %cond3A_50 = arith.cmpi ne, %convert_element_type3A, %cond3A : i32
      scf.if %cond3A_50 {
        %mul3A_51 = arith.constant 80 : i32
        %mul3A_52 = arith.muli %add3A_48, %mul3A_51 : i32
        "tpu.region"() ({
          %run_scoped3A = tpu.sem_alloc : memref<!tpu.dma_semaphore, #tpu.memory_space<semaphore_mem>>
          %dma_start3A_53 = arith.constant 0 : i32
          %dma_start3A_54 = tpu.memref_slice %arg16[%mul3A_52, %dma_start3A_53] : memref<10000x128xf32, #tpu.memory_space<vmem_shared>> -> memref<80x128xf32, #tpu.memory_space<vmem_shared>>
          %dma_start3A_55 = arith.constant 0 : i32
          %dma_start3A_56 = tpu.memref_slice %arg16[%mul3A_52, %dma_start3A_55] : memref<10000x128xf32, #tpu.memory_space<vmem_shared>> -> memref<80x128xf32, #tpu.memory_space<vmem_shared>>
          tpu.enqueue_dma source(%arg10 : memref<80x128xf32, #tpu.memory_space<vmem>>) target(%dma_start3A_56 : memref<80x128xf32, #tpu.memory_space<vmem_shared>>) target_semaphore(%run_scoped3A : memref<!tpu.dma_semaphore, #tpu.memory_space<semaphore_mem>>)
          %dma_wait3A_57 = arith.constant 0 : i32
          %dma_wait3A_58 = tpu.memref_slice %arg16[%mul3A_52, %dma_wait3A_57] : memref<10000x128xf32, #tpu.memory_space<vmem_shared>> -> memref<80x128xf32, #tpu.memory_space<vmem_shared>>
          %dma_wait3A_59 = arith.constant 0 : i32
          %dma_wait3A_60 = tpu.memref_slice %arg16[%mul3A_52, %dma_wait3A_59] : memref<10000x128xf32, #tpu.memory_space<vmem_shared>> -> memref<80x128xf32, #tpu.memory_space<vmem_shared>>
          tpu.wait_dma2 semaphore(%run_scoped3A : memref<!tpu.dma_semaphore, #tpu.memory_space<semaphore_mem>>) src(%arg10 : memref<80x128xf32, #tpu.memory_space<vmem>>) dst(%dma_wait3A_60 : memref<80x128xf32, #tpu.memory_space<vmem_shared>>)
          tpu.yield
        }) : () -> ()
      } else {
      }
    }
    %scan3A_4 = arith.constant 8 : i32
    %barrier3A = arith.constant 0 : index
    tpu.barrier barrier_id(%barrier3A)
    %mul3A_5 = arith.constant 125 : i32
    %mul3A_6 = arith.muli %add3A, %mul3A_5 : i32
    %mul3A_7 = arith.constant 80 : i32
    %mul3A_8 = arith.muli %mul3A_6, %mul3A_7 : i32
    "tpu.region"() ({
      %run_scoped3A = tpu.sem_alloc : memref<!tpu.dma_semaphore, #tpu.memory_space<semaphore_mem>>
      %dma_start3A_41 = tpu.memref_slice %arg3[%mul3A_8] : memref<320000xi32, #tpu.memory_space<hbm>> -> memref<80xi32, #tpu.memory_space<hbm>>
      %dma_start3A_42 = tpu.memref_slice %arg3[%mul3A_8] : memref<320000xi32, #tpu.memory_space<hbm>> -> memref<80xi32, #tpu.memory_space<hbm>>
      tpu.enqueue_dma source(%dma_start3A_42 : memref<80xi32, #tpu.memory_space<hbm>>) target(%arg8 : memref<80xi32, #tpu.memory_space<vmem>>) target_semaphore(%run_scoped3A : memref<!tpu.dma_semaphore, #tpu.memory_space<semaphore_mem>>)
      %dma_wait3A_43 = tpu.memref_slice %arg3[%mul3A_8] : memref<320000xi32, #tpu.memory_space<hbm>> -> memref<80xi32, #tpu.memory_space<hbm>>
      %dma_wait3A_44 = tpu.memref_slice %arg3[%mul3A_8] : memref<320000xi32, #tpu.memory_space<hbm>> -> memref<80xi32, #tpu.memory_space<hbm>>
      tpu.wait_dma2 semaphore(%run_scoped3A : memref<!tpu.dma_semaphore, #tpu.memory_space<semaphore_mem>>) src(%dma_wait3A_44 : memref<80xi32, #tpu.memory_space<hbm>>) dst(%arg8 : memref<80xi32, #tpu.memory_space<vmem>>)
      tpu.yield
    }) : () -> ()
    %mul3A_9 = arith.constant 80 : i32
    %mul3A_10 = arith.muli %mul3A_6, %mul3A_9 : i32
    "tpu.region"() ({
      %run_scoped3A = tpu.sem_alloc : memref<!tpu.dma_semaphore, #tpu.memory_space<semaphore_mem>>
      %dma_start3A_41 = tpu.memref_slice %arg4[%mul3A_10] : memref<320000xi32, #tpu.memory_space<hbm>> -> memref<80xi32, #tpu.memory_space<hbm>>
      %dma_start3A_42 = tpu.memref_slice %arg4[%mul3A_10] : memref<320000xi32, #tpu.memory_space<hbm>> -> memref<80xi32, #tpu.memory_space<hbm>>
      tpu.enqueue_dma source(%dma_start3A_42 : memref<80xi32, #tpu.memory_space<hbm>>) target(%arg9 : memref<80xi32, #tpu.memory_space<vmem>>) target_semaphore(%run_scoped3A : memref<!tpu.dma_semaphore, #tpu.memory_space<semaphore_mem>>)
      %dma_wait3A_43 = tpu.memref_slice %arg4[%mul3A_10] : memref<320000xi32, #tpu.memory_space<hbm>> -> memref<80xi32, #tpu.memory_space<hbm>>
      %dma_wait3A_44 = tpu.memref_slice %arg4[%mul3A_10] : memref<320000xi32, #tpu.memory_space<hbm>> -> memref<80xi32, #tpu.memory_space<hbm>>
      tpu.wait_dma2 semaphore(%run_scoped3A : memref<!tpu.dma_semaphore, #tpu.memory_space<semaphore_mem>>) src(%dma_wait3A_44 : memref<80xi32, #tpu.memory_space<hbm>>) dst(%arg9 : memref<80xi32, #tpu.memory_space<vmem>>)
      tpu.yield
    }) : () -> ()
    %dma_start3A = arith.constant 0 : i32
    %dma_start3A_11 = arith.constant 0 : i32
    %dma_start3A_12 = tpu.memref_slice %arg2[%dma_start3A, %dma_start3A_11] : memref<10000x128xf32, #tpu.memory_space<hbm>> -> memref<10000x128xf32, #tpu.memory_space<hbm>>
    tpu.enqueue_indirect_dma source(%dma_start3A_12 : memref<10000x128xf32, #tpu.memory_space<hbm>>) target(%arg10 : memref<80x128xf32, #tpu.memory_space<vmem>>) offsets(%arg8 : memref<80xi32, #tpu.memory_space<vmem>>) semaphore(%arg17 : memref<!tpu.dma_semaphore, #tpu.memory_space<semaphore_mem>>)
    %mul3A_13 = arith.constant 80 : i32
    %mul3A_14 = arith.muli %mul3A_6, %mul3A_13 : i32
    %dma_start3A_15 = arith.constant 0 : i32
    %dma_start3A_16 = tpu.memref_slice %arg5[%mul3A_14, %dma_start3A_15] : memref<320000x128xf32, #tpu.memory_space<hbm>> -> memref<80x128xf32, #tpu.memory_space<hbm>>
    %dma_start3A_17 = arith.constant 0 : i32
    %dma_start3A_18 = tpu.memref_slice %arg5[%mul3A_14, %dma_start3A_17] : memref<320000x128xf32, #tpu.memory_space<hbm>> -> memref<80x128xf32, #tpu.memory_space<hbm>>
    tpu.enqueue_dma source(%dma_start3A_18 : memref<80x128xf32, #tpu.memory_space<hbm>>) target(%arg11 : memref<80x128xf32, #tpu.memory_space<vmem>>) target_semaphore(%arg18 : memref<!tpu.dma_semaphore, #tpu.memory_space<semaphore_mem>>)
    %scan3A_19 = arith.constant 0 : i32
    %scan3A_20 = arith.constant 62 : i32
    %scan3A_21 = arith.addi %scan3A_19, %scan3A_20 : i32
    %scan3A_22 = arith.constant 1 : i32
    scf.for %scan3A_41 = %scan3A_19 to %scan3A_21 step %scan3A_22  : i32 {
      %mul3A_42 = arith.constant 1 : i32
      %mul3A_43 = arith.muli %scan3A_41, %mul3A_42 : i32
      %add3A_44 = arith.constant 0 : i32
      %add3A_45 = arith.addi %add3A_44, %mul3A_43 : i32
      %mul3A_46 = arith.constant 2 : i32
      %mul3A_47 = arith.muli %mul3A_46, %add3A_45 : i32
      %add3A_48 = arith.addi %mul3A_6, %mul3A_47 : i32
      %add3A_49 = arith.constant 1 : i32
      %add3A_50 = arith.addi %add3A_48, %add3A_49 : i32
      %mul3A_51 = arith.constant 80 : i32
      %mul3A_52 = arith.muli %add3A_50, %mul3A_51 : i32
      "tpu.region"() ({
        %run_scoped3A = tpu.sem_alloc : memref<!tpu.dma_semaphore, #tpu.memory_space<semaphore_mem>>
        %dma_start3A_99 = tpu.memref_slice %arg3[%mul3A_52] : memref<320000xi32, #tpu.memory_space<hbm>> -> memref<80xi32, #tpu.memory_space<hbm>>
        %dma_start3A_100 = tpu.memref_slice %arg3[%mul3A_52] : memref<320000xi32, #tpu.memory_space<hbm>> -> memref<80xi32, #tpu.memory_space<hbm>>
        tpu.enqueue_dma source(%dma_start3A_100 : memref<80xi32, #tpu.memory_space<hbm>>) target(%arg12 : memref<80xi32, #tpu.memory_space<vmem>>) target_semaphore(%run_scoped3A : memref<!tpu.dma_semaphore, #tpu.memory_space<semaphore_mem>>)
        %dma_wait3A_101 = tpu.memref_slice %arg3[%mul3A_52] : memref<320000xi32, #tpu.memory_space<hbm>> -> memref<80xi32, #tpu.memory_space<hbm>>
        %dma_wait3A_102 = tpu.memref_slice %arg3[%mul3A_52] : memref<320000xi32, #tpu.memory_space<hbm>> -> memref<80xi32, #tpu.memory_space<hbm>>
        tpu.wait_dma2 semaphore(%run_scoped3A : memref<!tpu.dma_semaphore, #tpu.memory_space<semaphore_mem>>) src(%dma_wait3A_102 : memref<80xi32, #tpu.memory_space<hbm>>) dst(%arg12 : memref<80xi32, #tpu.memory_space<vmem>>)
        tpu.yield
      }) : () -> ()
      %mul3A_53 = arith.constant 80 : i32
      %mul3A_54 = arith.muli %add3A_50, %mul3A_53 : i32
      "tpu.region"() ({
        %run_scoped3A = tpu.sem_alloc : memref<!tpu.dma_semaphore, #tpu.memory_space<semaphore_mem>>
        %dma_start3A_99 = tpu.memref_slice %arg4[%mul3A_54] : memref<320000xi32, #tpu.memory_space<hbm>> -> memref<80xi32, #tpu.memory_space<hbm>>
        %dma_start3A_100 = tpu.memref_slice %arg4[%mul3A_54] : memref<320000xi32, #tpu.memory_space<hbm>> -> memref<80xi32, #tpu.memory_space<hbm>>
        tpu.enqueue_dma source(%dma_start3A_100 : memref<80xi32, #tpu.memory_space<hbm>>) target(%arg13 : memref<80xi32, #tpu.memory_space<vmem>>) target_semaphore(%run_scoped3A : memref<!tpu.dma_semaphore, #tpu.memory_space<semaphore_mem>>)
        %dma_wait3A_101 = tpu.memref_slice %arg4[%mul3A_54] : memref<320000xi32, #tpu.memory_space<hbm>> -> memref<80xi32, #tpu.memory_space<hbm>>
        %dma_wait3A_102 = tpu.memref_slice %arg4[%mul3A_54] : memref<320000xi32, #tpu.memory_space<hbm>> -> memref<80xi32, #tpu.memory_space<hbm>>
        tpu.wait_dma2 semaphore(%run_scoped3A : memref<!tpu.dma_semaphore, #tpu.memory_space<semaphore_mem>>) src(%dma_wait3A_102 : memref<80xi32, #tpu.memory_space<hbm>>) dst(%arg13 : memref<80xi32, #tpu.memory_space<vmem>>)
        tpu.yield
      }) : () -> ()
      %dma_start3A_55 = arith.constant 0 : i32
      %dma_start3A_56 = arith.constant 0 : i32
      %dma_start3A_57 = tpu.memref_slice %arg2[%dma_start3A_55, %dma_start3A_56] : memref<10000x128xf32, #tpu.memory_space<hbm>> -> memref<10000x128xf32, #tpu.memory_space<hbm>>
      tpu.enqueue_indirect_dma source(%dma_start3A_57 : memref<10000x128xf32, #tpu.memory_space<hbm>>) target(%arg14 : memref<80x128xf32, #tpu.memory_space<vmem>>) offsets(%arg12 : memref<80xi32, #tpu.memory_space<vmem>>) semaphore(%arg19 : memref<!tpu.dma_semaphore, #tpu.memory_space<semaphore_mem>>)
      %mul3A_58 = arith.constant 80 : i32
      %mul3A_59 = arith.muli %add3A_50, %mul3A_58 : i32
      %dma_start3A_60 = arith.constant 0 : i32
      %dma_start3A_61 = tpu.memref_slice %arg5[%mul3A_59, %dma_start3A_60] : memref<320000x128xf32, #tpu.memory_space<hbm>> -> memref<80x128xf32, #tpu.memory_space<hbm>>
      %dma_start3A_62 = arith.constant 0 : i32
      %dma_start3A_63 = tpu.memref_slice %arg5[%mul3A_59, %dma_start3A_62] : memref<320000x128xf32, #tpu.memory_space<hbm>> -> memref<80x128xf32, #tpu.memory_space<hbm>>
      tpu.enqueue_dma source(%dma_start3A_63 : memref<80x128xf32, #tpu.memory_space<hbm>>) target(%arg15 : memref<80x128xf32, #tpu.memory_space<vmem>>) target_semaphore(%arg20 : memref<!tpu.dma_semaphore, #tpu.memory_space<semaphore_mem>>)
      %dma_wait3A_64 = arith.constant 0 : i32
      %dma_wait3A_65 = arith.constant 0 : i32
      %dma_wait3A_66 = tpu.memref_slice %arg2[%dma_wait3A_64, %dma_wait3A_65] : memref<10000x128xf32, #tpu.memory_space<hbm>> -> memref<10000x128xf32, #tpu.memory_space<hbm>>
      tpu.wait_indirect_dma semaphore(%arg17 : memref<!tpu.dma_semaphore, #tpu.memory_space<semaphore_mem>>) src(%dma_wait3A_66 : memref<10000x128xf32, #tpu.memory_space<hbm>>) dst(%arg10 : memref<80x128xf32, #tpu.memory_space<vmem>>)
      %mul3A_67 = arith.constant 80 : i32
      %mul3A_68 = arith.muli %add3A_48, %mul3A_67 : i32
      %dma_wait3A_69 = arith.constant 0 : i32
      %dma_wait3A_70 = tpu.memref_slice %arg5[%mul3A_68, %dma_wait3A_69] : memref<320000x128xf32, #tpu.memory_space<hbm>> -> memref<80x128xf32, #tpu.memory_space<hbm>>
      %dma_wait3A_71 = arith.constant 0 : i32
      %dma_wait3A_72 = tpu.memref_slice %arg5[%mul3A_68, %dma_wait3A_71] : memref<320000x128xf32, #tpu.memory_space<hbm>> -> memref<80x128xf32, #tpu.memory_space<hbm>>
      tpu.wait_dma2 semaphore(%arg18 : memref<!tpu.dma_semaphore, #tpu.memory_space<semaphore_mem>>) src(%dma_wait3A_72 : memref<80x128xf32, #tpu.memory_space<hbm>>) dst(%arg11 : memref<80x128xf32, #tpu.memory_space<vmem>>)
      "tpu.region"() ({
        %run_scoped3A = tpu.sem_alloc : memref<!tpu.dma_semaphore, #tpu.memory_space<semaphore_mem>>
        %dma_start3A_99 = arith.constant 0 : i32
        %dma_start3A_100 = arith.constant 0 : i32
        %dma_start3A_101 = tpu.memref_slice %arg16[%dma_start3A_99, %dma_start3A_100] : memref<10000x128xf32, #tpu.memory_space<vmem_shared>> -> memref<10000x128xf32, #tpu.memory_space<vmem_shared>>
        tpu.enqueue_indirect_dma source(%arg10 : memref<80x128xf32, #tpu.memory_space<vmem>>) target(%dma_start3A_101 : memref<10000x128xf32, #tpu.memory_space<vmem_shared>>) offsets(%arg9 : memref<80xi32, #tpu.memory_space<vmem>>) semaphore(%run_scoped3A : memref<!tpu.dma_semaphore, #tpu.memory_space<semaphore_mem>>) {add = true}
        %dma_wait3A_102 = arith.constant 0 : i32
        %dma_wait3A_103 = arith.constant 0 : i32
        %dma_wait3A_104 = tpu.memref_slice %arg16[%dma_wait3A_102, %dma_wait3A_103] : memref<10000x128xf32, #tpu.memory_space<vmem_shared>> -> memref<10000x128xf32, #tpu.memory_space<vmem_shared>>
        tpu.wait_indirect_dma semaphore(%run_scoped3A : memref<!tpu.dma_semaphore, #tpu.memory_space<semaphore_mem>>) src(%arg10 : memref<80x128xf32, #tpu.memory_space<vmem>>) dst(%dma_wait3A_104 : memref<10000x128xf32, #tpu.memory_space<vmem_shared>>)
        tpu.yield
      }) : () -> ()
      "tpu.region"() ({
        %run_scoped3A = tpu.sem_alloc : memref<!tpu.dma_semaphore, #tpu.memory_space<semaphore_mem>>
        %dma_start3A_99 = arith.constant 0 : i32
        %dma_start3A_100 = arith.constant 0 : i32
        %dma_start3A_101 = tpu.memref_slice %arg16[%dma_start3A_99, %dma_start3A_100] : memref<10000x128xf32, #tpu.memory_space<vmem_shared>> -> memref<10000x128xf32, #tpu.memory_space<vmem_shared>>
        tpu.enqueue_indirect_dma source(%arg11 : memref<80x128xf32, #tpu.memory_space<vmem>>) target(%dma_start3A_101 : memref<10000x128xf32, #tpu.memory_space<vmem_shared>>) offsets(%arg9 : memref<80xi32, #tpu.memory_space<vmem>>) semaphore(%run_scoped3A : memref<!tpu.dma_semaphore, #tpu.memory_space<semaphore_mem>>) {add = true}
        %dma_wait3A_102 = arith.constant 0 : i32
        %dma_wait3A_103 = arith.constant 0 : i32
        %dma_wait3A_104 = tpu.memref_slice %arg16[%dma_wait3A_102, %dma_wait3A_103] : memref<10000x128xf32, #tpu.memory_space<vmem_shared>> -> memref<10000x128xf32, #tpu.memory_space<vmem_shared>>
        tpu.wait_indirect_dma semaphore(%run_scoped3A : memref<!tpu.dma_semaphore, #tpu.memory_space<semaphore_mem>>) src(%arg11 : memref<80x128xf32, #tpu.memory_space<vmem>>) dst(%dma_wait3A_104 : memref<10000x128xf32, #tpu.memory_space<vmem_shared>>)
        tpu.yield
      }) : () -> ()
      %add3A_73 = arith.constant 2 : i32
      %add3A_74 = arith.addi %add3A_48, %add3A_73 : i32
      %mul3A_75 = arith.constant 80 : i32
      %mul3A_76 = arith.muli %add3A_74, %mul3A_75 : i32
      "tpu.region"() ({
        %run_scoped3A = tpu.sem_alloc : memref<!tpu.dma_semaphore, #tpu.memory_space<semaphore_mem>>
        %dma_start3A_99 = tpu.memref_slice %arg3[%mul3A_76] : memref<320000xi32, #tpu.memory_space<hbm>> -> memref<80xi32, #tpu.memory_space<hbm>>
        %dma_start3A_100 = tpu.memref_slice %arg3[%mul3A_76] : memref<320000xi32, #tpu.memory_space<hbm>> -> memref<80xi32, #tpu.memory_space<hbm>>
        tpu.enqueue_dma source(%dma_start3A_100 : memref<80xi32, #tpu.memory_space<hbm>>) target(%arg8 : memref<80xi32, #tpu.memory_space<vmem>>) target_semaphore(%run_scoped3A : memref<!tpu.dma_semaphore, #tpu.memory_space<semaphore_mem>>)
        %dma_wait3A_101 = tpu.memref_slice %arg3[%mul3A_76] : memref<320000xi32, #tpu.memory_space<hbm>> -> memref<80xi32, #tpu.memory_space<hbm>>
        %dma_wait3A_102 = tpu.memref_slice %arg3[%mul3A_76] : memref<320000xi32, #tpu.memory_space<hbm>> -> memref<80xi32, #tpu.memory_space<hbm>>
        tpu.wait_dma2 semaphore(%run_scoped3A : memref<!tpu.dma_semaphore, #tpu.memory_space<semaphore_mem>>) src(%dma_wait3A_102 : memref<80xi32, #tpu.memory_space<hbm>>) dst(%arg8 : memref<80xi32, #tpu.memory_space<vmem>>)
        tpu.yield
      }) : () -> ()
      %mul3A_77 = arith.constant 80 : i32
      %mul3A_78 = arith.muli %add3A_74, %mul3A_77 : i32
      "tpu.region"() ({
        %run_scoped3A = tpu.sem_alloc : memref<!tpu.dma_semaphore, #tpu.memory_space<semaphore_mem>>
        %dma_start3A_99 = tpu.memref_slice %arg4[%mul3A_78] : memref<320000xi32, #tpu.memory_space<hbm>> -> memref<80xi32, #tpu.memory_space<hbm>>
        %dma_start3A_100 = tpu.memref_slice %arg4[%mul3A_78] : memref<320000xi32, #tpu.memory_space<hbm>> -> memref<80xi32, #tpu.memory_space<hbm>>
        tpu.enqueue_dma source(%dma_start3A_100 : memref<80xi32, #tpu.memory_space<hbm>>) target(%arg9 : memref<80xi32, #tpu.memory_space<vmem>>) target_semaphore(%run_scoped3A : memref<!tpu.dma_semaphore, #tpu.memory_space<semaphore_mem>>)
        %dma_wait3A_101 = tpu.memref_slice %arg4[%mul3A_78] : memref<320000xi32, #tpu.memory_space<hbm>> -> memref<80xi32, #tpu.memory_space<hbm>>
        %dma_wait3A_102 = tpu.memref_slice %arg4[%mul3A_78] : memref<320000xi32, #tpu.memory_space<hbm>> -> memref<80xi32, #tpu.memory_space<hbm>>
        tpu.wait_dma2 semaphore(%run_scoped3A : memref<!tpu.dma_semaphore, #tpu.memory_space<semaphore_mem>>) src(%dma_wait3A_102 : memref<80xi32, #tpu.memory_space<hbm>>) dst(%arg9 : memref<80xi32, #tpu.memory_space<vmem>>)
        tpu.yield
      }) : () -> ()
      %dma_start3A_79 = arith.constant 0 : i32
      %dma_start3A_80 = arith.constant 0 : i32
      %dma_start3A_81 = tpu.memref_slice %arg2[%dma_start3A_79, %dma_start3A_80] : memref<10000x128xf32, #tpu.memory_space<hbm>> -> memref<10000x128xf32, #tpu.memory_space<hbm>>
      tpu.enqueue_indirect_dma source(%dma_start3A_81 : memref<10000x128xf32, #tpu.memory_space<hbm>>) target(%arg10 : memref<80x128xf32, #tpu.memory_space<vmem>>) offsets(%arg8 : memref<80xi32, #tpu.memory_space<vmem>>) semaphore(%arg17 : memref<!tpu.dma_semaphore, #tpu.memory_space<semaphore_mem>>)
      %mul3A_82 = arith.constant 80 : i32
      %mul3A_83 = arith.muli %add3A_74, %mul3A_82 : i32
      %dma_start3A_84 = arith.constant 0 : i32
      %dma_start3A_85 = tpu.memref_slice %arg5[%mul3A_83, %dma_start3A_84] : memref<320000x128xf32, #tpu.memory_space<hbm>> -> memref<80x128xf32, #tpu.memory_space<hbm>>
      %dma_start3A_86 = arith.constant 0 : i32
      %dma_start3A_87 = tpu.memref_slice %arg5[%mul3A_83, %dma_start3A_86] : memref<320000x128xf32, #tpu.memory_space<hbm>> -> memref<80x128xf32, #tpu.memory_space<hbm>>
      tpu.enqueue_dma source(%dma_start3A_87 : memref<80x128xf32, #tpu.memory_space<hbm>>) target(%arg11 : memref<80x128xf32, #tpu.memory_space<vmem>>) target_semaphore(%arg18 : memref<!tpu.dma_semaphore, #tpu.memory_space<semaphore_mem>>)
      %add3A_88 = arith.constant 1 : i32
      %add3A_89 = arith.addi %add3A_48, %add3A_88 : i32
      %dma_wait3A_90 = arith.constant 0 : i32
      %dma_wait3A_91 = arith.constant 0 : i32
      %dma_wait3A_92 = tpu.memref_slice %arg2[%dma_wait3A_90, %dma_wait3A_91] : memref<10000x128xf32, #tpu.memory_space<hbm>> -> memref<10000x128xf32, #tpu.memory_space<hbm>>
      tpu.wait_indirect_dma semaphore(%arg19 : memref<!tpu.dma_semaphore, #tpu.memory_space<semaphore_mem>>) src(%dma_wait3A_92 : memref<10000x128xf32, #tpu.memory_space<hbm>>) dst(%arg14 : memref<80x128xf32, #tpu.memory_space<vmem>>)
      %mul3A_93 = arith.constant 80 : i32
      %mul3A_94 = arith.muli %add3A_89, %mul3A_93 : i32
      %dma_wait3A_95 = arith.constant 0 : i32
      %dma_wait3A_96 = tpu.memref_slice %arg5[%mul3A_94, %dma_wait3A_95] : memref<320000x128xf32, #tpu.memory_space<hbm>> -> memref<80x128xf32, #tpu.memory_space<hbm>>
      %dma_wait3A_97 = arith.constant 0 : i32
      %dma_wait3A_98 = tpu.memref_slice %arg5[%mul3A_94, %dma_wait3A_97] : memref<320000x128xf32, #tpu.memory_space<hbm>> -> memref<80x128xf32, #tpu.memory_space<hbm>>
      tpu.wait_dma2 semaphore(%arg20 : memref<!tpu.dma_semaphore, #tpu.memory_space<semaphore_mem>>) src(%dma_wait3A_98 : memref<80x128xf32, #tpu.memory_space<hbm>>) dst(%arg15 : memref<80x128xf32, #tpu.memory_space<vmem>>)
      "tpu.region"() ({
        %run_scoped3A = tpu.sem_alloc : memref<!tpu.dma_semaphore, #tpu.memory_space<semaphore_mem>>
        %dma_start3A_99 = arith.constant 0 : i32
        %dma_start3A_100 = arith.constant 0 : i32
        %dma_start3A_101 = tpu.memref_slice %arg16[%dma_start3A_99, %dma_start3A_100] : memref<10000x128xf32, #tpu.memory_space<vmem_shared>> -> memref<10000x128xf32, #tpu.memory_space<vmem_shared>>
        tpu.enqueue_indirect_dma source(%arg14 : memref<80x128xf32, #tpu.memory_space<vmem>>) target(%dma_start3A_101 : memref<10000x128xf32, #tpu.memory_space<vmem_shared>>) offsets(%arg13 : memref<80xi32, #tpu.memory_space<vmem>>) semaphore(%run_scoped3A : memref<!tpu.dma_semaphore, #tpu.memory_space<semaphore_mem>>) {add = true}
        %dma_wait3A_102 = arith.constant 0 : i32
        %dma_wait3A_103 = arith.constant 0 : i32
        %dma_wait3A_104 = tpu.memref_slice %arg16[%dma_wait3A_102, %dma_wait3A_103] : memref<10000x128xf32, #tpu.memory_space<vmem_shared>> -> memref<10000x128xf32, #tpu.memory_space<vmem_shared>>
        tpu.wait_indirect_dma semaphore(%run_scoped3A : memref<!tpu.dma_semaphore, #tpu.memory_space<semaphore_mem>>) src(%arg14 : memref<80x128xf32, #tpu.memory_space<vmem>>) dst(%dma_wait3A_104 : memref<10000x128xf32, #tpu.memory_space<vmem_shared>>)
        tpu.yield
      }) : () -> ()
      "tpu.region"() ({
        %run_scoped3A = tpu.sem_alloc : memref<!tpu.dma_semaphore, #tpu.memory_space<semaphore_mem>>
        %dma_start3A_99 = arith.constant 0 : i32
        %dma_start3A_100 = arith.constant 0 : i32
        %dma_start3A_101 = tpu.memref_slice %arg16[%dma_start3A_99, %dma_start3A_100] : memref<10000x128xf32, #tpu.memory_space<vmem_shared>> -> memref<10000x128xf32, #tpu.memory_space<vmem_shared>>
        tpu.enqueue_indirect_dma source(%arg15 : memref<80x128xf32, #tpu.memory_space<vmem>>) target(%dma_start3A_101 : memref<10000x128xf32, #tpu.memory_space<vmem_shared>>) offsets(%arg13 : memref<80xi32, #tpu.memory_space<vmem>>) semaphore(%run_scoped3A : memref<!tpu.dma_semaphore, #tpu.memory_space<semaphore_mem>>) {add = true}
        %dma_wait3A_102 = arith.constant 0 : i32
        %dma_wait3A_103 = arith.constant 0 : i32
        %dma_wait3A_104 = tpu.memref_slice %arg16[%dma_wait3A_102, %dma_wait3A_103] : memref<10000x128xf32, #tpu.memory_space<vmem_shared>> -> memref<10000x128xf32, #tpu.memory_space<vmem_shared>>
        tpu.wait_indirect_dma semaphore(%run_scoped3A : memref<!tpu.dma_semaphore, #tpu.memory_space<semaphore_mem>>) src(%arg15 : memref<80x128xf32, #tpu.memory_space<vmem>>) dst(%dma_wait3A_104 : memref<10000x128xf32, #tpu.memory_space<vmem_shared>>)
        tpu.yield
      }) : () -> ()
    }
    %scan3A_23 = arith.constant 62 : i32
    %add3A_24 = arith.constant 125 : i32
    %add3A_25 = arith.addi %mul3A_6, %add3A_24 : i32
    %sub3A = arith.constant 1 : i32
    %sub3A_26 = arith.subi %add3A_25, %sub3A : i32
    %dma_wait3A = arith.constant 0 : i32
    %dma_wait3A_27 = arith.constant 0 : i32
    %dma_wait3A_28 = tpu.memref_slice %arg2[%dma_wait3A, %dma_wait3A_27] : memref<10000x128xf32, #tpu.memory_space<hbm>> -> memref<10000x128xf32, #tpu.memory_space<hbm>>
    tpu.wait_indirect_dma semaphore(%arg17 : memref<!tpu.dma_semaphore, #tpu.memory_space<semaphore_mem>>) src(%dma_wait3A_28 : memref<10000x128xf32, #tpu.memory_space<hbm>>) dst(%arg10 : memref<80x128xf32, #tpu.memory_space<vmem>>)
    %mul3A_29 = arith.constant 80 : i32
    %mul3A_30 = arith.muli %sub3A_26, %mul3A_29 : i32
    %dma_wait3A_31 = arith.constant 0 : i32
    %dma_wait3A_32 = tpu.memref_slice %arg5[%mul3A_30, %dma_wait3A_31] : memref<320000x128xf32, #tpu.memory_space<hbm>> -> memref<80x128xf32, #tpu.memory_space<hbm>>
    %dma_wait3A_33 = arith.constant 0 : i32
    %dma_wait3A_34 = tpu.memref_slice %arg5[%mul3A_30, %dma_wait3A_33] : memref<320000x128xf32, #tpu.memory_space<hbm>> -> memref<80x128xf32, #tpu.memory_space<hbm>>
    tpu.wait_dma2 semaphore(%arg18 : memref<!tpu.dma_semaphore, #tpu.memory_space<semaphore_mem>>) src(%dma_wait3A_34 : memref<80x128xf32, #tpu.memory_space<hbm>>) dst(%arg11 : memref<80x128xf32, #tpu.memory_space<vmem>>)
    "tpu.region"() ({
      %run_scoped3A = tpu.sem_alloc : memref<!tpu.dma_semaphore, #tpu.memory_space<semaphore_mem>>
      %dma_start3A_41 = arith.constant 0 : i32
      %dma_start3A_42 = arith.constant 0 : i32
      %dma_start3A_43 = tpu.memref_slice %arg16[%dma_start3A_41, %dma_start3A_42] : memref<10000x128xf32, #tpu.memory_space<vmem_shared>> -> memref<10000x128xf32, #tpu.memory_space<vmem_shared>>
      tpu.enqueue_indirect_dma source(%arg10 : memref<80x128xf32, #tpu.memory_space<vmem>>) target(%dma_start3A_43 : memref<10000x128xf32, #tpu.memory_space<vmem_shared>>) offsets(%arg9 : memref<80xi32, #tpu.memory_space<vmem>>) semaphore(%run_scoped3A : memref<!tpu.dma_semaphore, #tpu.memory_space<semaphore_mem>>) {add = true}
      %dma_wait3A_44 = arith.constant 0 : i32
      %dma_wait3A_45 = arith.constant 0 : i32
      %dma_wait3A_46 = tpu.memref_slice %arg16[%dma_wait3A_44, %dma_wait3A_45] : memref<10000x128xf32, #tpu.memory_space<vmem_shared>> -> memref<10000x128xf32, #tpu.memory_space<vmem_shared>>
      tpu.wait_indirect_dma semaphore(%run_scoped3A : memref<!tpu.dma_semaphore, #tpu.memory_space<semaphore_mem>>) src(%arg10 : memref<80x128xf32, #tpu.memory_space<vmem>>) dst(%dma_wait3A_46 : memref<10000x128xf32, #tpu.memory_space<vmem_shared>>)
      tpu.yield
    }) : () -> ()
    "tpu.region"() ({
      %run_scoped3A = tpu.sem_alloc : memref<!tpu.dma_semaphore, #tpu.memory_space<semaphore_mem>>
      %dma_start3A_41 = arith.constant 0 : i32
      %dma_start3A_42 = arith.constant 0 : i32
      %dma_start3A_43 = tpu.memref_slice %arg16[%dma_start3A_41, %dma_start3A_42] : memref<10000x128xf32, #tpu.memory_space<vmem_shared>> -> memref<10000x128xf32, #tpu.memory_space<vmem_shared>>
      tpu.enqueue_indirect_dma source(%arg11 : memref<80x128xf32, #tpu.memory_space<vmem>>) target(%dma_start3A_43 : memref<10000x128xf32, #tpu.memory_space<vmem_shared>>) offsets(%arg9 : memref<80xi32, #tpu.memory_space<vmem>>) semaphore(%run_scoped3A : memref<!tpu.dma_semaphore, #tpu.memory_space<semaphore_mem>>) {add = true}
      %dma_wait3A_44 = arith.constant 0 : i32
      %dma_wait3A_45 = arith.constant 0 : i32
      %dma_wait3A_46 = tpu.memref_slice %arg16[%dma_wait3A_44, %dma_wait3A_45] : memref<10000x128xf32, #tpu.memory_space<vmem_shared>> -> memref<10000x128xf32, #tpu.memory_space<vmem_shared>>
      tpu.wait_indirect_dma semaphore(%run_scoped3A : memref<!tpu.dma_semaphore, #tpu.memory_space<semaphore_mem>>) src(%arg11 : memref<80x128xf32, #tpu.memory_space<vmem>>) dst(%dma_wait3A_46 : memref<10000x128xf32, #tpu.memory_space<vmem_shared>>)
      tpu.yield
    }) : () -> ()
    %barrier3A_35 = arith.constant 0 : index
    tpu.barrier barrier_id(%barrier3A_35)
    %scan3A_36 = arith.constant 0 : i32
    %scan3A_37 = arith.constant 8 : i32
    %scan3A_38 = arith.addi %scan3A_36, %scan3A_37 : i32
    %scan3A_39 = arith.constant 1 : i32
    scf.for %scan3A_41 = %scan3A_36 to %scan3A_38 step %scan3A_39  : i32 {
      %mul3A_42 = arith.constant 1 : i32
      %mul3A_43 = arith.muli %scan3A_41, %mul3A_42 : i32
      %add3A_44 = arith.constant 0 : i32
      %add3A_45 = arith.addi %add3A_44, %mul3A_43 : i32
      %mul3A_46 = arith.constant 8 : i32
      %mul3A_47 = arith.muli %arg1, %mul3A_46 : i32
      %add3A_48 = arith.addi %mul3A_47, %add3A_45 : i32
      %lt3A = arith.constant 125 : i32
      %lt3A_49 = arith.cmpi slt, %add3A_48, %lt3A : i32
      %convert_element_type3A = arith.extui %lt3A_49 : i1 to i32
      %cond3A = arith.constant 0 : i32
      %cond3A_50 = arith.cmpi ne, %convert_element_type3A, %cond3A : i32
      scf.if %cond3A_50 {
        %mul3A_51 = arith.constant 80 : i32
        %mul3A_52 = arith.muli %add3A_48, %mul3A_51 : i32
        "tpu.region"() ({
          %run_scoped3A = tpu.sem_alloc : memref<!tpu.dma_semaphore, #tpu.memory_space<semaphore_mem>>
          %dma_start3A_55 = arith.constant 0 : i32
          %dma_start3A_56 = tpu.memref_slice %arg16[%mul3A_52, %dma_start3A_55] : memref<10000x128xf32, #tpu.memory_space<vmem_shared>> -> memref<80x128xf32, #tpu.memory_space<vmem_shared>>
          %dma_start3A_57 = arith.constant 0 : i32
          %dma_start3A_58 = tpu.memref_slice %arg16[%mul3A_52, %dma_start3A_57] : memref<10000x128xf32, #tpu.memory_space<vmem_shared>> -> memref<80x128xf32, #tpu.memory_space<vmem_shared>>
          tpu.enqueue_dma source(%dma_start3A_58 : memref<80x128xf32, #tpu.memory_space<vmem_shared>>) target(%arg10 : memref<80x128xf32, #tpu.memory_space<vmem>>) target_semaphore(%run_scoped3A : memref<!tpu.dma_semaphore, #tpu.memory_space<semaphore_mem>>)
          %dma_wait3A_59 = arith.constant 0 : i32
          %dma_wait3A_60 = tpu.memref_slice %arg16[%mul3A_52, %dma_wait3A_59] : memref<10000x128xf32, #tpu.memory_space<vmem_shared>> -> memref<80x128xf32, #tpu.memory_space<vmem_shared>>
          %dma_wait3A_61 = arith.constant 0 : i32
          %dma_wait3A_62 = tpu.memref_slice %arg16[%mul3A_52, %dma_wait3A_61] : memref<10000x128xf32, #tpu.memory_space<vmem_shared>> -> memref<80x128xf32, #tpu.memory_space<vmem_shared>>
          tpu.wait_dma2 semaphore(%run_scoped3A : memref<!tpu.dma_semaphore, #tpu.memory_space<semaphore_mem>>) src(%dma_wait3A_62 : memref<80x128xf32, #tpu.memory_space<vmem_shared>>) dst(%arg10 : memref<80x128xf32, #tpu.memory_space<vmem>>)
          tpu.yield
        }) : () -> ()
        %mul3A_53 = arith.constant 80 : i32
        %mul3A_54 = arith.muli %add3A_48, %mul3A_53 : i32
        "tpu.region"() ({
          %run_scoped3A = tpu.sem_alloc : memref<!tpu.dma_semaphore, #tpu.memory_space<semaphore_mem>>
          %dma_start3A_55 = arith.constant 0 : i32
          %dma_start3A_56 = tpu.memref_slice %arg7[%arg0, %mul3A_54, %dma_start3A_55] : memref<2x10000x128xf32, #tpu.memory_space<hbm>> -> memref<1x80x128xf32, #tpu.memory_space<hbm>>
          %dma_start3A_57 = tpu.memref_squeeze %dma_start3A_56 : memref<1x80x128xf32, #tpu.memory_space<hbm>> -> memref<80x128xf32, #tpu.memory_space<hbm>>
          %dma_start3A_58 = arith.constant 0 : i32
          %dma_start3A_59 = tpu.memref_slice %arg7[%arg0, %mul3A_54, %dma_start3A_58] : memref<2x10000x128xf32, #tpu.memory_space<hbm>> -> memref<1x80x128xf32, #tpu.memory_space<hbm>>
          %dma_start3A_60 = tpu.memref_squeeze %dma_start3A_59 : memref<1x80x128xf32, #tpu.memory_space<hbm>> -> memref<80x128xf32, #tpu.memory_space<hbm>>
          tpu.enqueue_dma source(%arg10 : memref<80x128xf32, #tpu.memory_space<vmem>>) target(%dma_start3A_60 : memref<80x128xf32, #tpu.memory_space<hbm>>) target_semaphore(%run_scoped3A : memref<!tpu.dma_semaphore, #tpu.memory_space<semaphore_mem>>)
          %dma_wait3A_61 = arith.constant 0 : i32
          %dma_wait3A_62 = tpu.memref_slice %arg7[%arg0, %mul3A_54, %dma_wait3A_61] : memref<2x10000x128xf32, #tpu.memory_space<hbm>> -> memref<1x80x128xf32, #tpu.memory_space<hbm>>
          %dma_wait3A_63 = tpu.memref_squeeze %dma_wait3A_62 : memref<1x80x128xf32, #tpu.memory_space<hbm>> -> memref<80x128xf32, #tpu.memory_space<hbm>>
          %dma_wait3A_64 = arith.constant 0 : i32
          %dma_wait3A_65 = tpu.memref_slice %arg7[%arg0, %mul3A_54, %dma_wait3A_64] : memref<2x10000x128xf32, #tpu.memory_space<hbm>> -> memref<1x80x128xf32, #tpu.memory_space<hbm>>
          %dma_wait3A_66 = tpu.memref_squeeze %dma_wait3A_65 : memref<1x80x128xf32, #tpu.memory_space<hbm>> -> memref<80x128xf32, #tpu.memory_space<hbm>>
          tpu.wait_dma2 semaphore(%run_scoped3A : memref<!tpu.dma_semaphore, #tpu.memory_space<semaphore_mem>>) src(%arg10 : memref<80x128xf32, #tpu.memory_space<vmem>>) dst(%dma_wait3A_66 : memref<80x128xf32, #tpu.memory_space<hbm>>)
          tpu.yield
        }) : () -> ()
      } else {
      }
    }
    %scan3A_40 = arith.constant 8 : i32
    return
  }
}

#map = affine_map<(d0, d1) -> (0)>
#map1 = affine_map<(d0, d1) -> (0, 0)>
#map2 = affine_map<(d0, d1) -> (0, 0, 0)>
module attributes {stable_mosaic.version = 14 : i64} {
  func.func @_sc_deg_body(%arg0: i32, %arg1: i32, %arg2: memref<320000xi32, #tpu.memory_space<hbm>>, %arg3: memref<80x128xf32, #tpu.memory_space<hbm>>, %arg4: memref<80x128xf32, #tpu.memory_space<hbm>>, %arg5: memref<2x10000x128xf32, #tpu.memory_space<hbm>>, %arg6: memref<80xi32, #tpu.memory_space<vmem>>, %arg7: memref<80x128xf32, #tpu.memory_space<vmem>>, %arg8: memref<80x128xf32, #tpu.memory_space<vmem>>, %arg9: memref<10000x128xf32, #tpu.memory_space<vmem_shared>>) attributes {dimension_semantics = [#tpu.dimension_semantics<core_parallel>, #tpu.dimension_semantics<subcore_parallel>], iteration_bounds = array<i64: 2, 16>, scalar_prefetch = 0 : i64, scratch_operands = 4 : i64, tpu.core_type = #tpu.core_type<sc_vector_subcore>, window_params = [{transform_indices = #map}, {transform_indices = #map1}, {transform_indices = #map1}, {transform_indices = #map2}]} {
    %mul3A = arith.constant 2 : i32
    %mul3A_0 = arith.muli %arg1, %mul3A : i32
    %add3A = arith.addi %mul3A_0, %arg0 : i32
    "tpu.region"() ({
      %run_scoped3A = tpu.sem_alloc : memref<!tpu.dma_semaphore, #tpu.memory_space<semaphore_mem>>
      tpu.enqueue_dma source(%arg3 : memref<80x128xf32, #tpu.memory_space<hbm>>) target(%arg7 : memref<80x128xf32, #tpu.memory_space<vmem>>) target_semaphore(%run_scoped3A : memref<!tpu.dma_semaphore, #tpu.memory_space<semaphore_mem>>)
      tpu.wait_dma2 semaphore(%run_scoped3A : memref<!tpu.dma_semaphore, #tpu.memory_space<semaphore_mem>>) src(%arg3 : memref<80x128xf32, #tpu.memory_space<hbm>>) dst(%arg7 : memref<80x128xf32, #tpu.memory_space<vmem>>)
      tpu.yield
    }) : () -> ()
    "tpu.region"() ({
      %run_scoped3A = tpu.sem_alloc : memref<!tpu.dma_semaphore, #tpu.memory_space<semaphore_mem>>
      tpu.enqueue_dma source(%arg4 : memref<80x128xf32, #tpu.memory_space<hbm>>) target(%arg8 : memref<80x128xf32, #tpu.memory_space<vmem>>) target_semaphore(%run_scoped3A : memref<!tpu.dma_semaphore, #tpu.memory_space<semaphore_mem>>)
      tpu.wait_dma2 semaphore(%run_scoped3A : memref<!tpu.dma_semaphore, #tpu.memory_space<semaphore_mem>>) src(%arg4 : memref<80x128xf32, #tpu.memory_space<hbm>>) dst(%arg8 : memref<80x128xf32, #tpu.memory_space<vmem>>)
      tpu.yield
    }) : () -> ()
    %scan3A = arith.constant 0 : i32
    %scan3A_1 = arith.constant 8 : i32
    %scan3A_2 = arith.addi %scan3A, %scan3A_1 : i32
    %scan3A_3 = arith.constant 1 : i32
    scf.for %scan3A_18 = %scan3A to %scan3A_2 step %scan3A_3  : i32 {
      %mul3A_19 = arith.constant 1 : i32
      %mul3A_20 = arith.muli %scan3A_18, %mul3A_19 : i32
      %add3A_21 = arith.constant 0 : i32
      %add3A_22 = arith.addi %add3A_21, %mul3A_20 : i32
      %mul3A_23 = arith.constant 8 : i32
      %mul3A_24 = arith.muli %arg1, %mul3A_23 : i32
      %add3A_25 = arith.addi %mul3A_24, %add3A_22 : i32
      %lt3A = arith.constant 125 : i32
      %lt3A_26 = arith.cmpi slt, %add3A_25, %lt3A : i32
      %convert_element_type3A = arith.extui %lt3A_26 : i1 to i32
      %cond3A = arith.constant 0 : i32
      %cond3A_27 = arith.cmpi ne, %convert_element_type3A, %cond3A : i32
      scf.if %cond3A_27 {
        %mul3A_28 = arith.constant 80 : i32
        %mul3A_29 = arith.muli %add3A_25, %mul3A_28 : i32
        "tpu.region"() ({
          %run_scoped3A = tpu.sem_alloc : memref<!tpu.dma_semaphore, #tpu.memory_space<semaphore_mem>>
          %dma_start3A = arith.constant 0 : i32
          %dma_start3A_30 = tpu.memref_slice %arg9[%mul3A_29, %dma_start3A] : memref<10000x128xf32, #tpu.memory_space<vmem_shared>> -> memref<80x128xf32, #tpu.memory_space<vmem_shared>>
          %dma_start3A_31 = arith.constant 0 : i32
          %dma_start3A_32 = tpu.memref_slice %arg9[%mul3A_29, %dma_start3A_31] : memref<10000x128xf32, #tpu.memory_space<vmem_shared>> -> memref<80x128xf32, #tpu.memory_space<vmem_shared>>
          tpu.enqueue_dma source(%arg7 : memref<80x128xf32, #tpu.memory_space<vmem>>) target(%dma_start3A_32 : memref<80x128xf32, #tpu.memory_space<vmem_shared>>) target_semaphore(%run_scoped3A : memref<!tpu.dma_semaphore, #tpu.memory_space<semaphore_mem>>)
          %dma_wait3A = arith.constant 0 : i32
          %dma_wait3A_33 = tpu.memref_slice %arg9[%mul3A_29, %dma_wait3A] : memref<10000x128xf32, #tpu.memory_space<vmem_shared>> -> memref<80x128xf32, #tpu.memory_space<vmem_shared>>
          %dma_wait3A_34 = arith.constant 0 : i32
          %dma_wait3A_35 = tpu.memref_slice %arg9[%mul3A_29, %dma_wait3A_34] : memref<10000x128xf32, #tpu.memory_space<vmem_shared>> -> memref<80x128xf32, #tpu.memory_space<vmem_shared>>
          tpu.wait_dma2 semaphore(%run_scoped3A : memref<!tpu.dma_semaphore, #tpu.memory_space<semaphore_mem>>) src(%arg7 : memref<80x128xf32, #tpu.memory_space<vmem>>) dst(%dma_wait3A_35 : memref<80x128xf32, #tpu.memory_space<vmem_shared>>)
          tpu.yield
        }) : () -> ()
      } else {
      }
    }
    %scan3A_4 = arith.constant 8 : i32
    %barrier3A = arith.constant 0 : index
    tpu.barrier barrier_id(%barrier3A)
    %mul3A_5 = arith.constant 125 : i32
    %mul3A_6 = arith.muli %add3A, %mul3A_5 : i32
    %scan3A_7 = arith.constant 0 : i32
    %scan3A_8 = arith.constant 125 : i32
    %scan3A_9 = arith.addi %scan3A_7, %scan3A_8 : i32
    %scan3A_10 = arith.constant 1 : i32
    scf.for %scan3A_18 = %scan3A_7 to %scan3A_9 step %scan3A_10  : i32 {
      %mul3A_19 = arith.constant 1 : i32
      %mul3A_20 = arith.muli %scan3A_18, %mul3A_19 : i32
      %add3A_21 = arith.constant 0 : i32
      %add3A_22 = arith.addi %add3A_21, %mul3A_20 : i32
      %add3A_23 = arith.addi %mul3A_6, %add3A_22 : i32
      %mul3A_24 = arith.constant 80 : i32
      %mul3A_25 = arith.muli %add3A_23, %mul3A_24 : i32
      "tpu.region"() ({
        %run_scoped3A = tpu.sem_alloc : memref<!tpu.dma_semaphore, #tpu.memory_space<semaphore_mem>>
        %dma_start3A = tpu.memref_slice %arg2[%mul3A_25] : memref<320000xi32, #tpu.memory_space<hbm>> -> memref<80xi32, #tpu.memory_space<hbm>>
        %dma_start3A_26 = tpu.memref_slice %arg2[%mul3A_25] : memref<320000xi32, #tpu.memory_space<hbm>> -> memref<80xi32, #tpu.memory_space<hbm>>
        tpu.enqueue_dma source(%dma_start3A_26 : memref<80xi32, #tpu.memory_space<hbm>>) target(%arg6 : memref<80xi32, #tpu.memory_space<vmem>>) target_semaphore(%run_scoped3A : memref<!tpu.dma_semaphore, #tpu.memory_space<semaphore_mem>>)
        %dma_wait3A = tpu.memref_slice %arg2[%mul3A_25] : memref<320000xi32, #tpu.memory_space<hbm>> -> memref<80xi32, #tpu.memory_space<hbm>>
        %dma_wait3A_27 = tpu.memref_slice %arg2[%mul3A_25] : memref<320000xi32, #tpu.memory_space<hbm>> -> memref<80xi32, #tpu.memory_space<hbm>>
        tpu.wait_dma2 semaphore(%run_scoped3A : memref<!tpu.dma_semaphore, #tpu.memory_space<semaphore_mem>>) src(%dma_wait3A_27 : memref<80xi32, #tpu.memory_space<hbm>>) dst(%arg6 : memref<80xi32, #tpu.memory_space<vmem>>)
        tpu.yield
      }) : () -> ()
      "tpu.region"() ({
        %run_scoped3A = tpu.sem_alloc : memref<!tpu.dma_semaphore, #tpu.memory_space<semaphore_mem>>
        %dma_start3A = arith.constant 0 : i32
        %dma_start3A_26 = arith.constant 0 : i32
        %dma_start3A_27 = tpu.memref_slice %arg9[%dma_start3A, %dma_start3A_26] : memref<10000x128xf32, #tpu.memory_space<vmem_shared>> -> memref<10000x128xf32, #tpu.memory_space<vmem_shared>>
        tpu.enqueue_indirect_dma source(%arg8 : memref<80x128xf32, #tpu.memory_space<vmem>>) target(%dma_start3A_27 : memref<10000x128xf32, #tpu.memory_space<vmem_shared>>) offsets(%arg6 : memref<80xi32, #tpu.memory_space<vmem>>) semaphore(%run_scoped3A : memref<!tpu.dma_semaphore, #tpu.memory_space<semaphore_mem>>) {add = true}
        %dma_wait3A = arith.constant 0 : i32
        %dma_wait3A_28 = arith.constant 0 : i32
        %dma_wait3A_29 = tpu.memref_slice %arg9[%dma_wait3A, %dma_wait3A_28] : memref<10000x128xf32, #tpu.memory_space<vmem_shared>> -> memref<10000x128xf32, #tpu.memory_space<vmem_shared>>
        tpu.wait_indirect_dma semaphore(%run_scoped3A : memref<!tpu.dma_semaphore, #tpu.memory_space<semaphore_mem>>) src(%arg8 : memref<80x128xf32, #tpu.memory_space<vmem>>) dst(%dma_wait3A_29 : memref<10000x128xf32, #tpu.memory_space<vmem_shared>>)
        tpu.yield
      }) : () -> ()
    }
    %scan3A_11 = arith.constant 125 : i32
    %barrier3A_12 = arith.constant 0 : index
    tpu.barrier barrier_id(%barrier3A_12)
    %scan3A_13 = arith.constant 0 : i32
    %scan3A_14 = arith.constant 8 : i32
    %scan3A_15 = arith.addi %scan3A_13, %scan3A_14 : i32
    %scan3A_16 = arith.constant 1 : i32
    scf.for %scan3A_18 = %scan3A_13 to %scan3A_15 step %scan3A_16  : i32 {
      %mul3A_19 = arith.constant 1 : i32
      %mul3A_20 = arith.muli %scan3A_18, %mul3A_19 : i32
      %add3A_21 = arith.constant 0 : i32
      %add3A_22 = arith.addi %add3A_21, %mul3A_20 : i32
      %mul3A_23 = arith.constant 8 : i32
      %mul3A_24 = arith.muli %arg1, %mul3A_23 : i32
      %add3A_25 = arith.addi %mul3A_24, %add3A_22 : i32
      %lt3A = arith.constant 125 : i32
      %lt3A_26 = arith.cmpi slt, %add3A_25, %lt3A : i32
      %convert_element_type3A = arith.extui %lt3A_26 : i1 to i32
      %cond3A = arith.constant 0 : i32
      %cond3A_27 = arith.cmpi ne, %convert_element_type3A, %cond3A : i32
      scf.if %cond3A_27 {
        %mul3A_28 = arith.constant 80 : i32
        %mul3A_29 = arith.muli %add3A_25, %mul3A_28 : i32
        "tpu.region"() ({
          %run_scoped3A = tpu.sem_alloc : memref<!tpu.dma_semaphore, #tpu.memory_space<semaphore_mem>>
          %dma_start3A = arith.constant 0 : i32
          %dma_start3A_32 = tpu.memref_slice %arg9[%mul3A_29, %dma_start3A] : memref<10000x128xf32, #tpu.memory_space<vmem_shared>> -> memref<80x128xf32, #tpu.memory_space<vmem_shared>>
          %dma_start3A_33 = arith.constant 0 : i32
          %dma_start3A_34 = tpu.memref_slice %arg9[%mul3A_29, %dma_start3A_33] : memref<10000x128xf32, #tpu.memory_space<vmem_shared>> -> memref<80x128xf32, #tpu.memory_space<vmem_shared>>
          tpu.enqueue_dma source(%dma_start3A_34 : memref<80x128xf32, #tpu.memory_space<vmem_shared>>) target(%arg7 : memref<80x128xf32, #tpu.memory_space<vmem>>) target_semaphore(%run_scoped3A : memref<!tpu.dma_semaphore, #tpu.memory_space<semaphore_mem>>)
          %dma_wait3A = arith.constant 0 : i32
          %dma_wait3A_35 = tpu.memref_slice %arg9[%mul3A_29, %dma_wait3A] : memref<10000x128xf32, #tpu.memory_space<vmem_shared>> -> memref<80x128xf32, #tpu.memory_space<vmem_shared>>
          %dma_wait3A_36 = arith.constant 0 : i32
          %dma_wait3A_37 = tpu.memref_slice %arg9[%mul3A_29, %dma_wait3A_36] : memref<10000x128xf32, #tpu.memory_space<vmem_shared>> -> memref<80x128xf32, #tpu.memory_space<vmem_shared>>
          tpu.wait_dma2 semaphore(%run_scoped3A : memref<!tpu.dma_semaphore, #tpu.memory_space<semaphore_mem>>) src(%dma_wait3A_37 : memref<80x128xf32, #tpu.memory_space<vmem_shared>>) dst(%arg7 : memref<80x128xf32, #tpu.memory_space<vmem>>)
          tpu.yield
        }) : () -> ()
        %mul3A_30 = arith.constant 80 : i32
        %mul3A_31 = arith.muli %add3A_25, %mul3A_30 : i32
        "tpu.region"() ({
          %run_scoped3A = tpu.sem_alloc : memref<!tpu.dma_semaphore, #tpu.memory_space<semaphore_mem>>
          %dma_start3A = arith.constant 0 : i32
          %dma_start3A_32 = tpu.memref_slice %arg5[%arg0, %mul3A_31, %dma_start3A] : memref<2x10000x128xf32, #tpu.memory_space<hbm>> -> memref<1x80x128xf32, #tpu.memory_space<hbm>>
          %dma_start3A_33 = tpu.memref_squeeze %dma_start3A_32 : memref<1x80x128xf32, #tpu.memory_space<hbm>> -> memref<80x128xf32, #tpu.memory_space<hbm>>
          %dma_start3A_34 = arith.constant 0 : i32
          %dma_start3A_35 = tpu.memref_slice %arg5[%arg0, %mul3A_31, %dma_start3A_34] : memref<2x10000x128xf32, #tpu.memory_space<hbm>> -> memref<1x80x128xf32, #tpu.memory_space<hbm>>
          %dma_start3A_36 = tpu.memref_squeeze %dma_start3A_35 : memref<1x80x128xf32, #tpu.memory_space<hbm>> -> memref<80x128xf32, #tpu.memory_space<hbm>>
          tpu.enqueue_dma source(%arg7 : memref<80x128xf32, #tpu.memory_space<vmem>>) target(%dma_start3A_36 : memref<80x128xf32, #tpu.memory_space<hbm>>) target_semaphore(%run_scoped3A : memref<!tpu.dma_semaphore, #tpu.memory_space<semaphore_mem>>)
          %dma_wait3A = arith.constant 0 : i32
          %dma_wait3A_37 = tpu.memref_slice %arg5[%arg0, %mul3A_31, %dma_wait3A] : memref<2x10000x128xf32, #tpu.memory_space<hbm>> -> memref<1x80x128xf32, #tpu.memory_space<hbm>>
          %dma_wait3A_38 = tpu.memref_squeeze %dma_wait3A_37 : memref<1x80x128xf32, #tpu.memory_space<hbm>> -> memref<80x128xf32, #tpu.memory_space<hbm>>
          %dma_wait3A_39 = arith.constant 0 : i32
          %dma_wait3A_40 = tpu.memref_slice %arg5[%arg0, %mul3A_31, %dma_wait3A_39] : memref<2x10000x128xf32, #tpu.memory_space<hbm>> -> memref<1x80x128xf32, #tpu.memory_space<hbm>>
          %dma_wait3A_41 = tpu.memref_squeeze %dma_wait3A_40 : memref<1x80x128xf32, #tpu.memory_space<hbm>> -> memref<80x128xf32, #tpu.memory_space<hbm>>
          tpu.wait_dma2 semaphore(%run_scoped3A : memref<!tpu.dma_semaphore, #tpu.memory_space<semaphore_mem>>) src(%arg7 : memref<80x128xf32, #tpu.memory_space<vmem>>) dst(%dma_wait3A_41 : memref<80x128xf32, #tpu.memory_space<hbm>>)
          tpu.yield
        }) : () -> ()
      } else {
      }
    }
    %scan3A_17 = arith.constant 8 : i32
    return
  }
}

module attributes {stable_mosaic.version = 14 : i64} {
  func.func @_tc_body(%arg0: i32, %arg1: memref<2x2000x128xf32, #tpu.memory_space<vmem>>, %arg2: memref<2x2000x128xf32, #tpu.memory_space<vmem>>, %arg3: memref<2000x128xf32, #tpu.memory_space<vmem>>, %arg4: memref<128x128xf32, #tpu.memory_space<vmem>>, %arg5: memref<1x128xf32, #tpu.memory_space<vmem>>, %arg6: memref<2000x128xf32, #tpu.memory_space<vmem>>) attributes {dimension_semantics = [#tpu.dimension_semantics<arbitrary>], iteration_bounds = array<i64: 5>, scalar_prefetch = 0 : i64, scratch_operands = 0 : i64, tpu.core_type = #tpu.core_type<tc>, window_params = [{transform_indices = @transform_0, window_bounds = array<i64: 2, 2000, 128>}, {transform_indices = @transform_1, window_bounds = array<i64: 2, 2000, 128>}, {transform_indices = @transform_2, window_bounds = array<i64: 2000, 128>}, {pipeline_mode = #tpu.pipeline_mode<synchronous>, transform_indices = @transform_3, window_bounds = array<i64: 128, 128>}, {pipeline_mode = #tpu.pipeline_mode<synchronous>, transform_indices = @transform_4, window_bounds = array<i64: 1, 128>}, {transform_indices = @transform_5, window_bounds = array<i64: 2000, 128>}]} {
    %get3A = arith.constant 0 : index
    %get3A_0 = arith.constant 0 : index
    %get3A_1 = arith.constant 0 : index
    %get3A_2 = vector.load %arg1[%get3A, %get3A_0, %get3A_1] : memref<2x2000x128xf32, #tpu.memory_space<vmem>>, vector<1x2000x128xf32>
    %get3A_3 = vector.shape_cast %get3A_2 : vector<1x2000x128xf32> to vector<2000x128xf32>
    %get3A_4 = arith.constant 1 : index
    %get3A_5 = arith.constant 0 : index
    %get3A_6 = arith.constant 0 : index
    %get3A_7 = vector.load %arg1[%get3A_4, %get3A_5, %get3A_6] : memref<2x2000x128xf32, #tpu.memory_space<vmem>>, vector<1x2000x128xf32>
    %get3A_8 = vector.shape_cast %get3A_7 : vector<1x2000x128xf32> to vector<2000x128xf32>
    %add3A = arith.addf %get3A_3, %get3A_8 : vector<2000x128xf32>
    %get3A_9 = arith.constant 0 : index
    %get3A_10 = arith.constant 0 : index
    %get3A_11 = arith.constant 0 : index
    %get3A_12 = vector.load %arg2[%get3A_9, %get3A_10, %get3A_11] : memref<2x2000x128xf32, #tpu.memory_space<vmem>>, vector<1x2000x1xf32>
    %get3A_13 = vector.shape_cast %get3A_12 : vector<1x2000x1xf32> to vector<2000x1xf32>
    %get3A_14 = arith.constant 1 : index
    %get3A_15 = arith.constant 0 : index
    %get3A_16 = arith.constant 0 : index
    %get3A_17 = vector.load %arg2[%get3A_14, %get3A_15, %get3A_16] : memref<2x2000x128xf32, #tpu.memory_space<vmem>>, vector<1x2000x1xf32>
    %get3A_18 = vector.shape_cast %get3A_17 : vector<1x2000x1xf32> to vector<2000x1xf32>
    %add3A_19 = arith.addf %get3A_13, %get3A_18 : vector<2000x1xf32>
    %get3A_20 = arith.constant 0 : index
    %get3A_21 = arith.constant 0 : index
    %get3A_22 = vector.load %arg4[%get3A_20, %get3A_21] : memref<128x128xf32, #tpu.memory_space<vmem>>, vector<128x128xf32>
    %dot_general3A = arith.constant dense<0.000000e+00> : vector<2000x128xf32>
    %dot_general3A_23 = tpu.matmul %add3A, %get3A_22, %dot_general3A {dimension_numbers = #tpu.dot_dimension_numbers<[1], [0], [0], [1], [0, 0, 1, 1], [], []>, transpose_lhs_hint = false} : vector<2000x128xf32>, vector<128x128xf32>, vector<2000x128xf32> -> vector<2000x128xf32>
    %get3A_24 = arith.constant 0 : index
    %get3A_25 = arith.constant 0 : index
    %get3A_26 = vector.load %arg5[%get3A_24, %get3A_25] : memref<1x128xf32, #tpu.memory_space<vmem>>, vector<1x128xf32>
    %add3A_27 = vector.broadcast %get3A_26 : vector<1x128xf32> to vector<2000x128xf32>
    %add3A_28 = arith.addf %dot_general3A_23, %add3A_27 : vector<2000x128xf32>
    %max3A = arith.constant 1.000000e+00 : f32
    %max3A_29 = vector.broadcast %max3A : f32 to vector<2000x1xf32>
    %max3A_30 = arith.maximumf %add3A_19, %max3A_29 : vector<2000x1xf32>
    %rsqrt3A = math.rsqrt %max3A_30 : vector<2000x1xf32>
    %mul3A = vector.broadcast %rsqrt3A : vector<2000x1xf32> to vector<2000x128xf32>
    %mul3A_31 = arith.mulf %add3A_28, %mul3A : vector<2000x128xf32>
    %get3A_32 = arith.constant 0 : index
    %get3A_33 = arith.constant 0 : index
    %get3A_34 = vector.load %arg3[%get3A_32, %get3A_33] : memref<2000x128xf32, #tpu.memory_space<vmem>>, vector<2000x128xf32>
    %add3A_35 = arith.addf %mul3A_31, %get3A_34 : vector<2000x128xf32>
    %swap3A = arith.constant 0 : index
    %swap3A_36 = arith.constant 0 : index
    %swap3A_37 = vector.load %arg6[%swap3A, %swap3A_36] : memref<2000x128xf32, #tpu.memory_space<vmem>>, vector<2000x128xf32>
    tpu.vector_store %arg6[%swap3A, %swap3A_36], %add3A_35 {strides = array<i32>} : memref<2000x128xf32, #tpu.memory_space<vmem>>, vector<2000x128xf32>,
    return
  }
  func.func @transform_0(%arg0: i32) -> (i32, i32, i32) {
    %c0_i32 = arith.constant 0 : i32
    %c0_i32_0 = arith.constant 0 : i32
    %c0_i32_1 = arith.constant 0 : i32
    return %c0_i32, %arg0, %c0_i32_0 : i32, i32, i32
  }
  func.func @transform_1(%arg0: i32) -> (i32, i32, i32) {
    %c0_i32 = arith.constant 0 : i32
    %c0_i32_0 = arith.constant 0 : i32
    %c0_i32_1 = arith.constant 0 : i32
    return %c0_i32, %arg0, %c0_i32_0 : i32, i32, i32
  }
  func.func @transform_2(%arg0: i32) -> (i32, i32) {
    %c0_i32 = arith.constant 0 : i32
    %c0_i32_0 = arith.constant 0 : i32
    return %arg0, %c0_i32 : i32, i32
  }
  func.func @transform_3(%arg0: i32) -> (i32, i32) {
    %c0_i32 = arith.constant 0 : i32
    %c0_i32_0 = arith.constant 0 : i32
    %c0_i32_1 = arith.constant 0 : i32
    return %c0_i32, %c0_i32_0 : i32, i32
  }
  func.func @transform_4(%arg0: i32) -> (i32, i32) {
    %c0_i32 = arith.constant 0 : i32
    %c0_i32_0 = arith.constant 0 : i32
    %c0_i32_1 = arith.constant 0 : i32
    return %c0_i32, %c0_i32_0 : i32, i32
  }
  func.func @transform_5(%arg0: i32) -> (i32, i32) {
    %c0_i32 = arith.constant 0 : i32
    %c0_i32_0 = arith.constant 0 : i32
    return %arg0, %c0_i32 : i32, i32
  }
}

</mosaic_0001>

<sc_bundles>
// kernel: kernel.5.cloned.1.call-start
scs
__scs_entry_jumppad:
0x0: {  	(pc) =	sbr.rel $0x88, $3  }
0x1: {  	(tag) =	ssettag $0x0;
	lr =	simm.s32 $0x1  }
0x2: {  	[smem:$0x3F9C] =	sst lr;
	_ =	strace $0xD0000000  }
0x3: {  	_ = 	snop  }
0x4: {  	_ = 	snop  }
0x5: {  	_ = 	snop  }
0x6: {  	_ = 	snop  }
0x7: {  	_ = 	snop  }
__scs_overlays_trampoline_lowered:
0x8: {  	[smem:$0x3FAB] =	sst s0  }
0x9: {  	[smem:$0x3FAC] =	sst s1  }
0xa: {  	[smem:$0x3FAD] =	sst s2  }
0xb: {  	[smem:$0x3FAE] =	sst s3  }
0xc: {  	[smem:$0x3FAF] =	sst s4  }
0xd: {  	[smem:$0x3FB0] =	sst s5  }
0xe: {  	[smem:$0x3FB1] =	sst s6  }
0xf: {  	[smem:$0x3FB2] =	sst s7  }
0x10: {  	[smem:$0x3FB3] =	sst s8  }
0x11: {  	[smem:$0x3FB4] =	sst s9;
	s0 =	simm.s32 @!p0 $0x0  }
0x12: {  	s1 =	sld [smem:$0x3F9A];
	s0 =	simm.s32 @p0 $0x1  }
0x13: {  	[smem:$0x3FB5] =	sst s0;
	s0 =	simm.s32 @!p1 $0x0  }
0x14: {  	s2 =	sld [smem:$0x3F99];
	s0 =	simm.s32 @p1 $0x1  }
0x15: {  	[smem:$0x3FB6] =	sst s0;
	s0 =	simm.s32 @!p2 $0x0  }
0x16: {  	s3 =	sld [smem:$0x3FDB];
	s0 =	simm.s32 @p2 $0x1  }
0x17: {  	s4 =	simm.s32 $0x1BF5;
	[smem:$0x3FB8] =	sst s0  }
0x18: {  	s0 =	sld [smem:$0x3F9B];
	_ =	swait.ge [sflag:s4], $0x0  }
0x19: {  	s7 =	sld [smem:$0x3F9C]  }
0x1a: {  	s8 =	sadd.s32 $0xFFFFE003, lr  }
0x1b: {  	s9 =	sadd.s32 $0xFFFFFEF7, lr;
	s5 =	simm.s32 $0xFFFFFFFF;
	p2 =	slt.u32 s8, $0xFFFFF086  }
0x1c: {  	p1 =	slt.u32 s9, $0xF7A;
	s5 =	simm.s32 @!p2 $0x0  }
0x1d: {  	s5 =	simm.s32 @p1 $0x1;
	p0 =	seq.s32 s7, s2  }
0x1e: {  	s7 =	smul.u32 @!p0 $0xF7A, s2;
	p2 =	seq.s32 @!p0 s5, $0x0  }
0x1f: {  	s9 =	smul.u32 $0xF7A, s1;
	s8 =	simm.s32 @!p0 $0x1BF5;
	p2 =	por !p2, p0  }
0x20: {  	[sflag:s8] =	ssyncset.s32 @!p0 $0xFFFFF086;
	s6 =	sadd.s32 @!p0 s3, s7;
	s7 =	simm.s32 @!p0 $0x108  }
0x21: {  	s3 =	sadd.s32 s3, s9;
	s6 =	sadd.s32 @!p0 $0x88, s6;
	s7 =	simm.s32 @p2 $0x1082  }
0x22: {  	[simem:s7], [sflag:s8] =	dma.local @!p0 [hbm:s6], $0xF7A  }
0x23: {  	s9 =	sor.u32 $0xD0000000, s2;
	s6 =	simm.s32 $0x108;
	_ =	swait.ge @!p0 [sflag:s8], $0x0  }
0x24: {  	s3 =	sadd.s32 $0x88, s3;
	s6 =	simm.s32 @!p1 $0x1082;
	[sflag:s4] =	ssyncset.s32 $0xFFFFF086  }
0x25: {  	[simem:s6], [sflag:s4] =	dma.local [hbm:s3], $0xF7A  }
0x26: {  	[smem:$0x3F9C] =	sst s1;
	(tag) =	ssettag s2;
	_ =	strace s9  }
0x27: {  	s1 =	sld [smem:$0x3FAC]  }
0x28: {  	s2 =	sld [smem:$0x3FAD]  }
0x29: {  	s4 =	sld [smem:$0x3FAF]  }
0x2a: {  	p0 =	seq.s32 s5, $0x0;
	s5 =	sld [smem:$0x3FB0]  }
0x2b: {  	s6 =	sld [smem:$0x3FB1]  }
0x2c: {  	s7 =	sld [smem:$0x3FB2]  }
0x2d: {  	s3 =	simm.s32 $0x108;
	s8 =	sld [smem:$0x3FB3]  }
0x2e: {  	s3 =	simm.s32 @!p0 $0x1082;
	s9 =	sld [smem:$0x3FB4]  }
0x2f: {  	lr =	sadd.s32 s0, s3;
	s0 =	sld [smem:$0x3FAB]  }
0x30: {  	s3 =	sld [smem:$0x3FAE]  }
0x31: {  	[smem:$0x3FB7] =	sst s10  }
0x32: {  	s10 =	sld [smem:$0x3FB5];
	_ =	sdelay $0x3  }
0x33: {  	p0 =	seq.s32 s10, $0x1;
	s10 =	sld [smem:$0x3FB7];
	_ =	sdelay $0x3  }
0x34: {  	[smem:$0x3FB7] =	sst s10  }
0x35: {  	s10 =	sld [smem:$0x3FB6];
	_ =	sdelay $0x3  }
0x36: {  	p1 =	seq.s32 s10, $0x1;
	s10 =	sld [smem:$0x3FB7];
	_ =	sdelay $0x3  }
0x37: {  	[smem:$0x3FB7] =	sst s10  }
0x38: {  	s10 =	sld [smem:$0x3FB8]  }
0x39: {  	_ = 	snop;
	(pc) =	sbr.ind lr, $3  }
0x3a: {  	_ = 	snop  }
0x3b: {  	_ = 	snop  }
0x3c: {  	p2 =	seq.s32 s10, $0x1;
	s10 =	sld [smem:$0x3FB7]  }
0x3d: {  	_ =	shalt  }
0x3e: {  	_ =	shalt  }
0x3f: {  	_ =	shalt  }
0x40: {  	_ =	shalt  }
0x41: {  	_ =	shalt  }
0x42: {  	_ =	shalt  }
0x43: {  	_ =	shalt  }
0x44: {  	_ =	shalt  }
0x45: {  	_ =	shalt  }
0x46: {  	_ =	shalt  }
0x47: {  	_ =	shalt  }
0x48: {  	_ =	shalt  }
0x49: {  	_ =	shalt  }
0x4a: {  	_ =	shalt  }
0x4b: {  	_ =	shalt  }
0x4c: {  	_ =	shalt  }
0x4d: {  	_ =	shalt  }
0x4e: {  	_ =	shalt  }
0x4f: {  	_ =	shalt  }
0x50: {  	_ =	shalt  }
0x51: {  	_ =	shalt  }
0x52: {  	_ =	shalt  }
0x53: {  	_ =	shalt  }
0x54: {  	_ =	shalt  }
0x55: {  	_ =	shalt  }
0x56: {  	_ =	shalt  }
0x57: {  	_ =	shalt  }
0x58: {  	_ =	shalt  }
0x59: {  	_ =	shalt  }
0x5a: {  	_ =	shalt  }
0x5b: {  	_ =	shalt  }
0x5c: {  	_ =	shalt  }
0x5d: {  	_ =	shalt  }
0x5e: {  	_ =	shalt  }
0x5f: {  	_ =	shalt  }
0x60: {  	_ =	shalt  }
0x61: {  	_ =	shalt  }
0x62: {  	_ =	shalt  }
0x63: {  	_ =	shalt  }
0x64: {  	_ =	shalt  }
0x65: {  	_ =	shalt  }
0x66: {  	_ =	shalt  }
0x67: {  	_ =	shalt  }
0x68: {  	_ =	shalt  }
0x69: {  	_ =	shalt  }
0x6a: {  	_ =	shalt  }
0x6b: {  	_ =	shalt  }
0x6c: {  	_ =	shalt  }
0x6d: {  	_ =	shalt  }
0x6e: {  	_ =	shalt  }
0x6f: {  	_ =	shalt  }
0x70: {  	_ =	shalt  }
0x71: {  	_ =	shalt  }
0x72: {  	_ =	shalt  }
0x73: {  	_ =	shalt  }
0x74: {  	_ =	shalt  }
0x75: {  	_ =	shalt  }
0x76: {  	_ =	shalt  }
0x77: {  	_ =	shalt  }
0x78: {  	_ =	shalt  }
0x79: {  	_ =	shalt  }
0x7a: {  	_ =	shalt  }
0x7b: {  	_ =	shalt  }
0x7c: {  	_ =	shalt  }
0x7d: {  	_ =	shalt  }
0x7e: {  	_ =	shalt  }
0x7f: {  	_ =	shalt  }
0x80: {  	_ =	shalt  }
0x81: {  	_ =	shalt  }
0x82: {  	_ =	shalt  }
0x83: {  	_ =	shalt  }
0x84: {  	_ =	shalt  }
0x85: {  	_ =	shalt  }
0x86: {  	_ =	shalt  }
0x87: {  	_ =	shalt  }
.Lfunc_end0:
.L_simem_size_0:
called_computation_lowered:
.L_overlay_start_0:
0x88: {  	s2 =	sld [smem:$0x3FD9]  }
0x89: {  	s3 =	sld [smem:$0x3FFE];
	_ =	sdelay $0x1  }
0x8a: {  	s1 =	srdreg.scid  }
0x8b: {  	s0 =	sand.u32 $0x1, s1  }
0x8c: {  	s17 =	sshll.u32 s0, $0xA;
	s2 =	sadd.s32 s3, s2  }
0x8d: {  	s2 =	sadd.s32 s2, s17  }
0x8e: {  	[smem:$0x3FC3] =	sst s2  }
0x8f: {  	_ = 	snop  }
0x90: {  	s2 =	sld [smem:$0x3FC9]  }
0x91: {  	s18 =	sld [smem:$0x3FC7]  }
0x92: {  	s4 =	sld [smem:$0x3FD0];
	(tm) =	ssettm $0x1  }
0x93: {  	s5 =	sld [smem:$0x3FFB];
	_ =	sdelay $0x3  }
0x94: {  	_ =	strace s5  }
0x95: {  	s5 =	sld [smem:$0x3FFC];
	_ =	sdelay $0x3  }
0x96: {  	_ =	strace s5  }
0x97: {  	s5 =	sld [smem:$0x3FFD];
	_ =	sdelay $0x3  }
0x98: {  	_ =	strace s5  }
0x99: {  	_ =	strace $0x8FFFFFFF  }
0x9a: {  	s19 =	sld [smem:$0x3FDB];
	_ =	sdelay $0x1  }
0x9b: {  	s6 =	simm.s32 $_scs_section_size  }
0x9c: {  	s7 =	simm.s32 $_size__tile_overlayer_lowered;
	s8 =	simm.s32 $_tile_overlayer_lowered  }
0x9d: {  	s22 =	simm.s32 $0x1BFF;
	s21 =	sshll.u32 s8, $0x1;
	s5 =	sadd.s32 s6, s19  }
0x9e: {  	s9 =	simm.s32 $0x0;
	s20 =	sshll.u32 s7, $0x1;
	s7 =	sadd.s32 s21, s5  }
0x9f: {  	[timem:s9], [sflag:s22] =	dma.local [hbm:s7], s20  }
0xa0: {  	_ =	swait.ge [sflag:s22], s20  }
0xa1: {  	s6 =	ssub.s32 $0x0, s20;
	[sflag:s22] =	ssyncset.done $0x0  }
0xa2: {  	[sflag:s22] =	ssyncadd.s32 s6;
	_ =	sdelay $0x1  }
0xa3: {  	s23 =	simm.s32 $0x1B8B  }
0xa4: {  	_ =	swait.ge [sflag:s23], $0x1  }
0xa5: {  	[sflag:s23] =	ssyncset.done $0x0  }
0xa6: {  	s25 =	simm.s32 $0x1B8E;
	s24 =	sld [smem:$0x3FFE];
	[sflag:s23] =	ssyncadd.s32 $0xFFFFFFFF  }
0xa7: {  	s26 =	simm.s32 $execute0_lowered;
	[smem:$0x3FD2] =	sst s25  }
0xa8: {  	s7 =	sshll.u32 s26, $0x1;
	_ =	strace $0x80000046;
	[dreg:$0x1] =	wrdreg $0xFFFFFFFF  }
0xa9: {  	s28 =	simm.s32 $_size_execute0_lowered;
	s5 =	sadd.s32 s5, s7;
	[dreg:$0x0] =	wrdreg $0x0  }
0xaa: {  	s7 =	sshll.u32 s28, $0x1;
	[dreg:$0x2] =	wrdreg s5  }
0xab: {  	[dreg:$0x3] =	wrdreg s7  }
0xac: {  	[dreg:$0x4] =	wrdreg $0xC0  }
0xad: {  	_ =	task [dreg:s9], $0x5FFFF  }
0xae: {  	[dreg:$0x1] =	wrdreg $0xFFFFFFFF  }
0xaf: {  	[dreg:$0x0] =	wrdreg $0x60  }
0xb0: {  	[dreg:$0x2] =	wrdreg s2  }
0xb1: {  	[dreg:$0x3] =	wrdreg s24  }
0xb2: {  	[dreg:$0x4] =	wrdreg s4  }
0xb3: {  	[dreg:$0x5] =	wrdreg s18  }
0xb4: {  	[dreg:$0x6] =	wrdreg $0xA2000  }
0xb5: {  	[dreg:$0x7] =	wrdreg $0x9  }
0xb6: {  	_ =	task.clear_ibuf [dreg:s9], $0x8FFFF;
	_ =	strace $0x90000046  }
0xb7: {  	s29 =	simm.s32 $0x9;
	_ =	strace $0x80000048  }
0xb8: {  	_ =	swait.ge [sflag:s29], $0x1  }
0xb9: {  	[sflag:s29] =	ssyncadd.s32 $0xFFFFFFFF  }
0xba: {  	_ =	strace $0x90000048  }
0xbb: {  	_ =	sfence  }
0xbc: {  	s30 =	sld [smem:$0x0];
	_ =	sdelay $0x2  }
0xbd: {  	s31 =	sshll.u32 s1, $0xD;
	s1 =	sshrl.u32 s1, $0x2  }
0xbe: {  	s3 =	sand.u32 $0x4000, s31;
	s1 =	sadd.s32 s1, s30  }
0xbf: {  	s0 =	sor.u32 s3, s0;
	s1 =	sshll.u32 s1, $0x11  }
0xc0: {  	s0 =	sor.u32 s1, s0  }
0xc1: {  	s0 =	sadd.s32 $0x8F2B, s0  }
0xc2: {  	[sflag:s0] =	ssyncadd.remote.s32 $0x1  }
0xc3: {  	_ =	sfence.sel $0xFFFF  }
0xc4: {  	[dreg:$0x0] =	wrdreg $0xFFFFFFFF;
	(pc) =	sbr.abs _section_cstart, $3  }
0xc5: {  	[dreg:$0x1] =	wrdreg $0xFFFFFFFF  }
0xc6: {  	_ =	task.clear_ibuf [dreg:s9], $0x2FFFF;
	_ =	strace $0x9FFFFFFF  }
0xc7: {  	(tm) =	ssettm $0x7FFFFFFF  }
tec
execute0_lowered:
.L_overlay_start_1:
0x0: {  	(tag) =	ssettag $0x1  }
0x1: {  	s1 =	rddreg [dreg:$0x0]  }
0x2: {  	s0 =	rddreg [dreg:$0x1]  }
0x3: {  	s2 =	rddreg [dreg:$0x2]  }
0x4: {  	s3 =	rddreg [dreg:$0x3]  }
0x5: {  	s4 =	rddreg [dreg:$0x4];
	s5 =	simm.s32 $0x0;
	s6 =	srdreg.scid  }
0x6: {  	s9 =	stileid.u32;
	p1 =	por $0x0, $0x0;
	s28 =	simm.s32 $0x2  }
0x7: {  	s29 =	simm.s32 $0x3;
	s30 =	simm.s32 $0x4;
	[smem:$0x7FF] =	sst s5  }
0x8: {  	s7 =	sand.u32 $0x1, s6;
	s25 =	sshll.u32 s9, $0x1;
	s15 =	smul.u32 $0x50000, s9  }
0x9: {  	s6 =	sadd.s32 $0xE00, s0;
	s8 =	sor.u32 s7, s25;
	s19 =	smul.u32 $0x138800, s7  }
0xa: {  	s10 =	sadd.s32 $0xAC00, s0;
	s12 =	sshll.u32 s9, $0x3;
	s26 =	smul.u32 $0x4E2, s8  }
0xb: {  	s17 =	sadd.s32 $0xB200, s0;
	s13 =	sor.u32 $0x1, s12;
	s8 =	smul.u32 $0x27100, s8  }
0xc: {  	p0 =	seq.s32 s9, $0xF;
	s24 =	sor.u32 $0x2, s12;
	s18 =	smul.u32 $0xA000, s13  }
0xd: {  	_ =	strace $0x80000047;
	s16 =	sor.u32 $0x3, s12;
	s20 =	smul.u32 $0xA000, s24  }
0xe: {  	[dreg:$0x7] =	wrdreg s10;
	s14 =	ssub.s32 $0x2, s7;
	s22 =	smul.u32 $0xA000, s16  }
0xf: {  	s11 =	sshrl.u32 s14, $0x1;
	s23 =	sshrl.u32 s15, $0x2;
	s15 =	smul.u32 $0x27100, s7  }
0x10: {  	[dreg:$0x8] =	wrdreg s17;
	s7 =	smul.u32 $0x2710, s7;
	s0 =	ssub.s32 s14, s11  }
0x11: {  	s21 =	sadd.s32 s23, s4;
	[dreg:$0x9] =	wrdreg s19;
	s14 =	sadd.s32 s6, s26  }
0x12: {  	s23 =	sor.u32 $0x4, s12;
	s10 =	sadd.s32 s2, s26;
	[dreg:$0xa] =	wrdreg s14  }
0x13: {  	s8 =	sadd.s32 s3, s8;
	s0 =	smax.u32 s0, $0x1;
	[dreg:$0xb] =	wrdreg s10  }
0x14: {  	s25 =	sshrl.u32 s18, $0x2;
	s26 =	smul.u32 $0x4E200, s9;
	[dreg:$0xc] =	wrdreg s8  }
0x15: {  	[dreg:$0xd] =	wrdreg s0;
	s10 =	sshrl.u32 s20, $0x2;
	s20 =	smul.u32 $0x4E20, s9  }
0x16: {  	s31 =	sadd.s32 s25, s4;
	s0 =	sshrl.u32 s22, $0x2;
	s22 =	smul.u32 $0xA000, s23  }
0x17: {  	s14 =	sor.u32 $0x6, s12;
	s3 =	sadd.s32 s26, s3;
	s18 =	sadd.s32 s10, s4  }
0x18: {  	s10 =	sor.u32 $0x5, s12;
	s26 =	smul.u32 $0xA000, s14;
	p5 =	slt.u32 s14, $0x7D  }
0x19: {  	p2 =	sgt.u32 @!p0 s14, $0x7C;
	s14 =	simm.s32 @p0 $0x7E;
	s3 =	sadd.s32 s15, s3  }
0x1a: {  	s7 =	sadd.s32 s7, s20;
	s20 =	sadd.s32 s0, s4;
	s25 =	smul.u32 $0xA000, s10  }
0x1b: {  	s10 =	smul.u32 $0x2800, s10;
	p2 =	por p2, p0;
	[dreg:$0xf] =	wrdreg s14  }
0x1c: {  	p1 =	por @!p0 p5, p5;
	s14 =	simm.s32 $0x6;
	[dreg:$0x12] =	wrdreg s18  }
0x1d: {  	[dreg:$0x6] =	wrdreg s3;
	s3 =	sshrl.u32 s22, $0x2;
	s22 =	sshllo.u32 s9, $0x3  }
0x1e: {  	s11 =	sshrl.u32 s26, $0x2;
	s26 =	smul.u32 $0x2800, s13;
	[dreg:$0xe] =	wrdreg s20  }
0x1f: {  	s8 =	sadd.s32 s3, s4;
	s0 =	sshrl.u32 s25, $0x2;
	s12 =	smul.u32 $0xA000, s22  }
0x20: {  	s25 =	smul.u32 $0x14000, s9;
	s11 =	sadd.s32 s11, s4;
	p4 =	sgt.u32 @!p0 s22, $0x7C  }
0x21: {  	s22 =	simm.s32 @p0 $0x7F;
	s15 =	sadd.s32 s0, s4;
	[dreg:$0x14] =	wrdreg s11  }
0x22: {  	s11 =	sadd.s32 s19, s26;
	s26 =	smul.u32 $0x2800, s23;
	p3 =	por p4, p0  }
0x23: {  	[dreg:$0x10] =	wrdreg s22;
	p4 =	por !p4, p0;
	s22 =	simm.s32 $0x5100  }
0x24: {  	[dreg:$0x11] =	wrdreg s8;
	s3 =	sshrl.u32 s12, $0x2;
	s12 =	smul.u32 $0x2800, s24  }
0x25: {  	s0 =	sadd.s32 s19, s25;
	s13 =	sshrl.u32 s11, $0x3;
	s24 =	smul.u32 $0x2800, s16  }
0x26: {  	[dreg:$0x13] =	wrdreg s15;
	s3 =	sadd.s32 s3, s4;
	s0 =	sshrl.u32 s0, $0x3  }
0x27: {  	s11 =	simm.s32 $0x80;
	[dreg:$0x15] =	wrdreg s3;
	s0 =	sadd.s32 s17, s0  }
0x28: {  	s25 =	sadd.s32 s19, s12;
	s3 =	sadd.s32 s19, s24;
	s24 =	sadd.s32 $0x50, s7  }
0x29: {  	[dreg:$0x16] =	wrdreg s0;
	s0 =	sadd.s32 s17, s13;
	s12 =	sshrl.u32 s3, $0x3  }
0x2a: {  	s13 =	sadd.s32 s19, s26;
	s19 =	sadd.s32 s19, s10;
	s26 =	sshrl.u32 s24, $0x3  }
0x2b: {  	s10 =	simm.s32 $0x5;
	s24 =	simm.s32 $0x5200;
	[dreg:$0x17] =	wrdreg s0  }
0x2c: {  	s0 =	sshrl.u32 s25, $0x3;
	s16 =	sshrl.u32 s13, $0x3;
	s25 =	sadd.s32 $0xA0, s7  }
0x2d: {  	s23 =	sshrl.u32 s19, $0x3;
	s3 =	sadd.s32 s26, s2;
	[dreg:$0x1c] =	wrdreg s25  }
0x2e: {  	s7 =	simm.s32 $0x100;
	s0 =	sadd.s32 s17, s0;
	[dreg:$0x1d] =	wrdreg s3  }
0x2f: {  	s13 =	simm.s32 $0x2900;
	[dreg:$0x18] =	wrdreg s0;
	s0 =	sadd.s32 s17, s12  }
0x30: {  	s25 =	simm.s32 $0x7A00;
	[dreg:$0x19] =	wrdreg s0;
	s0 =	sadd.s32 s17, s16  }
0x31: {  	s3 =	simm.s32 $0x0;
	[dreg:$0x1a] =	wrdreg s0;
	s0 =	sadd.s32 s17, s23  }
0x32: {  	s12 =	simm.s32 $0x50;
	[dreg:$0x1b] =	wrdreg s0;
	s0 =	sadd.s32 s26, s6  }
0x33: {  	s23 =	simm.s32 $0x5180;
	s26 =	simm.s32 $0x1;
	[dreg:$0x1e] =	wrdreg s0  }
.LBB2_1:
0x34: {  	[dreg:$0x1f] =	wrdreg s3  }
0x35: {  	s0 =	rddreg [dreg:$0x7]  }
0x36: {  	[tilespmem:s7], [sflag:$0x5] =	stream.linear.gather [hbm4b:s0+s5], $0x2800, $0x38;
	[tilespmem:$0x1DA80] =	vst v63  }
0x37: {  	_ =	swait.ge [sflag:s10], $0x2800  }
0x38: {  	[sflag:s10] =	ssyncset.done $0x0  }
0x39: {  	[sflag:s10] =	ssyncadd.s32 $0xFFFFD800  }
0x3a: {  	[spmem:s21] =	stream.linear.scatter [tilespmem:s7], [sflag:$0x5], $0x2800, $0x38;
	[tilespmem:$0x1DA80] =	vst v63  }
0x3b: {  	_ =	swait.ge [sflag:s10], $0x2800  }
0x3c: {  	[sflag:s10] =	ssyncset.done $0x0  }
0x3d: {  	[sflag:s10] =	ssyncadd.s32 $0xFFFFD800  }
0x3e: {  	[spmem:s31] =	stream.linear.scatter [tilespmem:s7], [sflag:$0x5], $0x2800, $0x38;
	[tilespmem:$0x1DA80] =	vst v63  }
0x3f: {  	_ =	swait.ge [sflag:s10], $0x2800  }
0x40: {  	[sflag:s10] =	ssyncset.done $0x0  }
0x41: {  	s9 =	smov.u32 s18;
	[sflag:s10] =	ssyncadd.s32 $0xFFFFD800  }
0x42: {  	[spmem:s9] =	stream.linear.scatter [tilespmem:s7], [sflag:$0x5], $0x2800, $0x38;
	[tilespmem:$0x1DA80] =	vst v63  }
0x43: {  	_ =	swait.ge [sflag:s10], $0x2800  }
0x44: {  	[sflag:s10] =	ssyncset.done $0x0  }
0x45: {  	[sflag:s10] =	ssyncadd.s32 $0xFFFFD800  }
0x46: {  	[spmem:s20] =	stream.linear.scatter [tilespmem:s7], [sflag:$0x5], $0x2800, $0x38;
	[tilespmem:$0x1DA80] =	vst v63  }
0x47: {  	_ =	swait.ge [sflag:s10], $0x2800  }
0x48: {  	[sflag:s10] =	ssyncset.done $0x0  }
0x49: {  	[sflag:s10] =	ssyncadd.s32 $0xFFFFD800  }
0x4a: {  	[spmem:s8] =	stream.linear.scatter [tilespmem:s7], [sflag:$0x5], $0x2800, $0x38;
	[tilespmem:$0x1DA80] =	vst v63  }
0x4b: {  	_ =	swait.ge [sflag:s10], $0x2800  }
0x4c: {  	[sflag:s10] =	ssyncset.done $0x0  }
0x4d: {  	s0 =	simm.s32 @!p0 $0x100;
	[sflag:s10] =	ssyncadd.s32 $0xFFFFD800  }
0x4e: {  	[spmem:s15] =	stream.linear.scatter @!p0 [tilespmem:s0], [sflag:$0x5], $0x2800, $0x38;
	[tilespmem:$0x1DA80] =	vst v63  }
0x4f: {  	s0 =	simm.s32 @!p0 $0x5  }
0x50: {  	_ =	swait.ge @!p0 [sflag:s0], $0x2800  }
0x51: {  	[sflag:s0] =	ssyncset.done @!p0 $0x0  }
0x52: {  	s8 =	rddreg [dreg:$0x14];
	[sflag:s0] =	ssyncadd.s32 @!p0 $0xFFFFD800;
	s0 =	simm.s32 @!p2 $0x100  }
0x53: {  	[spmem:s8] =	stream.linear.scatter @!p2 [tilespmem:s0], [sflag:$0x5], $0x2800, $0x38;
	[tilespmem:$0x1DA80] =	vst v63  }
0x54: {  	s0 =	simm.s32 @!p2 $0x5  }
0x55: {  	_ =	swait.ge @!p2 [sflag:s0], $0x2800  }
0x56: {  	[sflag:s0] =	ssyncset.done @!p2 $0x0  }
0x57: {  	s8 =	rddreg [dreg:$0x15];
	[sflag:s0] =	ssyncadd.s32 @!p2 $0xFFFFD800;
	s0 =	simm.s32 @!p3 $0x100  }
0x58: {  	[spmem:s8] =	stream.linear.scatter @!p3 [tilespmem:s0], [sflag:$0x5], $0x2800, $0x38;
	[tilespmem:$0x1DA80] =	vst v63  }
0x59: {  	s0 =	simm.s32 @!p3 $0x5  }
0x5a: {  	_ =	swait.ge @!p3 [sflag:s0], $0x2800  }
0x5b: {  	[sflag:s0] =	ssyncset.done @!p3 $0x0  }
0x5c: {  	[sflag:s0] =	ssyncadd.s32 @!p3 $0xFFFFD800  }
0x5d: {  	[bflag:$0x0] =	sbarrier.arrive $0xFFFF  }
0x5e: {  	s15 =	rddreg [dreg:$0xa]  }
0x5f: {  	[tilespmem:s5], [sflag:$0x5] =	stream.linear.gather [hbm4b:s15+s5], $0x50, $0x38;
	[tilespmem:$0x1DA80] =	vst v63  }
0x60: {  	_ =	swait.ge [sflag:s10], $0x50  }
0x61: {  	[sflag:s10] =	ssyncset.done $0x0  }
0x62: {  	s16 =	rddreg [dreg:$0xb];
	[sflag:s10] =	ssyncadd.s32 $0xFFFFFFB0  }
0x63: {  	[tilespmem:s11], [sflag:$0x5] =	stream.linear.gather [hbm4b:s16+s5], $0x50, $0x38;
	[tilespmem:$0x1DA80] =	vst v63  }
0x64: {  	_ =	swait.ge [sflag:s10], $0x50  }
0x65: {  	[sflag:s10] =	ssyncset.done $0x0  }
0x66: {  	[sflag:s10] =	ssyncadd.s32 $0xFFFFFFB0  }
0x67: {  	[tilespmem:s7], [sflag:$0x1] =	stream.indirect.gather [hbm4b:s1+s12], $0x80, s5, s12, $0xb8;
	[tilespmem:$0x1DA80] =	vst v63  }
0x68: {  	s17 =	rddreg [dreg:$0xc]  }
0x69: {  	[tilespmem:s13], [sflag:$0x2] =	stream.linear.gather [hbm4b:s17+s5], $0x2800, $0x38;
	[tilespmem:$0x1DA80] =	vst v63  }
0x6a: {  	s9 =	rddreg [dreg:$0x1e]  }
0x6b: {  	[tilespmem:s22], [sflag:$0x5] =	stream.linear.gather [hbm4b:s9+s5], $0x50, $0x38;
	[tilespmem:$0x1DA80] =	vst v63  }
0x6c: {  	_ =	swait.ge [sflag:s10], $0x50  }
0x6d: {  	[sflag:s10] =	ssyncset.done $0x0  }
0x6e: {  	s19 =	rddreg [dreg:$0x1d];
	[sflag:s10] =	ssyncadd.s32 $0xFFFFFFB0  }
0x6f: {  	[tilespmem:s23], [sflag:$0x5] =	stream.linear.gather [hbm4b:s19+s5], $0x50, $0x38;
	[tilespmem:$0x1DA80] =	vst v63  }
0x70: {  	_ =	swait.ge [sflag:s10], $0x50  }
0x71: {  	[sflag:s10] =	ssyncset.done $0x0;
	s20 =	rddreg [dreg:$0x6]  }
0x72: {  	[sflag:s10] =	ssyncadd.s32 $0xFFFFFFB0;
	s0 =	sadd.s32 $0x0, s20  }
0x73: {  	[tilespmem:s24], [sflag:$0x3] =	stream.indirect.gather [hbm4b:s1+s12], $0x80, s22, s12, $0xb8;
	[tilespmem:$0x1DA80] =	vst v63  }
0x74: {  	s16 =	sadd.s32 $0x500, s0  }
0x75: {  	[tilespmem:s25], [sflag:$0x4] =	stream.linear.gather [hbm4b:s16+s5], $0x2800, $0x38;
	[tilespmem:$0x1DA80] =	vst v63  }
0x76: {  	_ =	swait.ge [sflag:s26], $0x2800  }
0x77: {  	[sflag:s26] =	ssyncset.done $0x0  }
0x78: {  	[sflag:s26] =	ssyncadd.s32 $0xFFFFD800  }
0x79: {  	_ =	swait.ge [sflag:s28], $0x2800  }
0x7a: {  	[sflag:s28] =	ssyncset.done $0x0  }
0x7b: {  	[sflag:s28] =	ssyncadd.s32 $0xFFFFD800  }
0x7c: {  	[spmem:s4] =	stream.indirect.scatter.add.f32 [tilespmem:s7], [sflag:$0x5], $0x80, s11, s12, $0xb8;
	[tilespmem:$0x1DA80] =	vst v63  }
0x7d: {  	_ =	swait.ge [sflag:s10], $0x2800  }
0x7e: {  	[sflag:s10] =	ssyncset.done $0x0  }
0x7f: {  	[sflag:s10] =	ssyncadd.s32 $0xFFFFD800  }
0x80: {  	[spmem:s4] =	stream.indirect.scatter.add.f32 [tilespmem:s13], [sflag:$0x5], $0x80, s11, s12, $0xb8;
	[tilespmem:$0x1DA80] =	vst v63  }
0x81: {  	_ =	swait.ge [sflag:s10], $0x2800  }
0x82: {  	s3 =	smov.u32 s31;
	s31 =	rddreg [dreg:$0x1c]  }
0x83: {  	s18 =	smov.u32 s21;
	[sflag:s10] =	ssyncset.done $0x0;
	s21 =	sshrl.u32 s31, $0x3  }
0x84: {  	[sflag:s10] =	ssyncadd.s32 $0xFFFFD800;
	s17 =	sadd.s32 s6, s21  }
0x85: {  	[tilespmem:s5], [sflag:$0x5] =	stream.linear.gather [hbm4b:s17+s5], $0x50, $0x38;
	[tilespmem:$0x1DA80] =	vst v63  }
0x86: {  	_ =	swait.ge [sflag:s10], $0x50  }
0x87: {  	[sflag:s10] =	ssyncset.done $0x0  }
0x88: {  	s16 =	sadd.s32 s2, s21;
	[sflag:s10] =	ssyncadd.s32 $0xFFFFFFB0  }
0x89: {  	[tilespmem:s11], [sflag:$0x5] =	stream.linear.gather [hbm4b:s16+s5], $0x50, $0x38;
	[tilespmem:$0x1DA80] =	vst v63  }
0x8a: {  	_ =	swait.ge [sflag:s10], $0x50  }
0x8b: {  	[sflag:s10] =	ssyncset.done $0x0  }
0x8c: {  	[sflag:s10] =	ssyncadd.s32 $0xFFFFFFB0  }
0x8d: {  	[tilespmem:s7], [sflag:$0x1] =	stream.indirect.gather [hbm4b:s1+s12], $0x80, s5, s12, $0xb8;
	[tilespmem:$0x1DA80] =	vst v63  }
0x8e: {  	s0 =	sadd.s32 $0xA00, s0  }
0x8f: {  	[tilespmem:s13], [sflag:$0x2] =	stream.linear.gather [hbm4b:s0+s5], $0x2800, $0x38;
	[tilespmem:$0x1DA80] =	vst v63  }
0x90: {  	_ =	swait.ge [sflag:s29], $0x2800  }
0x91: {  	[sflag:s29] =	ssyncset.done $0x0  }
0x92: {  	[sflag:s29] =	ssyncadd.s32 $0xFFFFD800  }
0x93: {  	_ =	swait.ge [sflag:s30], $0x2800  }
0x94: {  	[sflag:s30] =	ssyncset.done $0x0  }
0x95: {  	[sflag:s30] =	ssyncadd.s32 $0xFFFFD800  }
0x96: {  	[spmem:s4] =	stream.indirect.scatter.add.f32 [tilespmem:s24], [sflag:$0x5], $0x80, s23, s12, $0xb8;
	[tilespmem:$0x1DA80] =	vst v63  }
0x97: {  	p5 =	por @!p0 $0x0, $0x0;
	p6 =	por @!p3 $0x1, $0x1;
	_ =	swait.ge [sflag:s10], $0x2800  }
0x98: {  	p6 =	por @!p4 p5, p5;
	p5 =	por $0x0, $0x0;
	[sflag:s10] =	ssyncset.done $0x0  }
0x99: {  	p5 =	por @!p0 p6, p6;
	s17 =	sadd.s32 $0x14, s9;
	[sflag:s10] =	ssyncadd.s32 $0xFFFFD800  }
0x9a: {  	[spmem:s4] =	stream.indirect.scatter.add.f32 [tilespmem:s25], [sflag:$0x5], $0x80, s23, s12, $0xb8;
	[tilespmem:$0x1DA80] =	vst v63  }
0x9b: {  	s16 =	simm.s32 $0xA00;
	s0 =	smov.u32 s19;
	_ =	swait.ge [sflag:s10], $0x2800  }
.LBB2_2:
0x9c: {  	[sflag:s10] =	ssyncset.done $0x0  }
0x9d: {  	[sflag:s10] =	ssyncadd.s32 $0xFFFFD800  }
0x9e: {  	[tilespmem:s22], [sflag:$0x5] =	stream.linear.gather [hbm4b:s17+s5], $0x50, $0x38;
	[tilespmem:$0x1DA80] =	vst v63  }
0x9f: {  	_ =	swait.ge [sflag:s10], $0x50  }
0xa0: {  	[sflag:s10] =	ssyncset.done $0x0  }
0xa1: {  	s0 =	sadd.s32 $0x14, s0;
	[sflag:s10] =	ssyncadd.s32 $0xFFFFFFB0  }
0xa2: {  	[tilespmem:s23], [sflag:$0x5] =	stream.linear.gather [hbm4b:s0+s5], $0x50, $0x38;
	[tilespmem:$0x1DA80] =	vst v63  }
0xa3: {  	_ =	swait.ge [sflag:s10], $0x50  }
0xa4: {  	s9 =	smov.u32 s16;
	[sflag:s10] =	ssyncset.done $0x0;
	s21 =	rddreg [dreg:$0x6]  }
0xa5: {  	[sflag:s10] =	ssyncadd.s32 $0xFFFFFFB0;
	s9 =	sadd.s32 s9, s21  }
0xa6: {  	[tilespmem:s24], [sflag:$0x3] =	stream.indirect.gather [hbm4b:s1+s12], $0x80, s22, s12, $0xb8;
	[tilespmem:$0x1DA80] =	vst v63  }
0xa7: {  	s21 =	sadd.s32 $0x500, s9  }
0xa8: {  	[tilespmem:s25], [sflag:$0x4] =	stream.linear.gather [hbm4b:s21+s5], $0x2800, $0x38;
	[tilespmem:$0x1DA80] =	vst v63  }
0xa9: {  	_ =	swait.ge [sflag:s26], $0x2800  }
0xaa: {  	[sflag:s26] =	ssyncset.done $0x0  }
0xab: {  	[sflag:s26] =	ssyncadd.s32 $0xFFFFD800  }
0xac: {  	_ =	swait.ge [sflag:s28], $0x2800  }
0xad: {  	[sflag:s28] =	ssyncset.done $0x0  }
0xae: {  	[sflag:s28] =	ssyncadd.s32 $0xFFFFD800  }
0xaf: {  	[spmem:s4] =	stream.indirect.scatter.add.f32 [tilespmem:s7], [sflag:$0x5], $0x80, s11, s12, $0xb8;
	[tilespmem:$0x1DA80] =	vst v63  }
0xb0: {  	_ =	swait.ge [sflag:s10], $0x2800  }
0xb1: {  	[sflag:s10] =	ssyncset.done $0x0  }
0xb2: {  	[sflag:s10] =	ssyncadd.s32 $0xFFFFD800  }
0xb3: {  	[spmem:s4] =	stream.indirect.scatter.add.f32 [tilespmem:s13], [sflag:$0x5], $0x80, s11, s12, $0xb8;
	[tilespmem:$0x1DA80] =	vst v63  }
0xb4: {  	s31 =	sadd.s32 $0xA0, s31;
	_ =	swait.ge [sflag:s10], $0x2800  }
0xb5: {  	s20 =	sshrl.u32 s31, $0x3;
	[sflag:s10] =	ssyncset.done $0x0  }
0xb6: {  	s19 =	sadd.s32 s6, s20;
	[sflag:s10] =	ssyncadd.s32 $0xFFFFD800  }
0xb7: {  	[tilespmem:s5], [sflag:$0x5] =	stream.linear.gather [hbm4b:s19+s5], $0x50, $0x38;
	[tilespmem:$0x1DA80] =	vst v63  }
0xb8: {  	_ =	swait.ge [sflag:s10], $0x50  }
0xb9: {  	[sflag:s10] =	ssyncset.done $0x0  }
0xba: {  	s21 =	sadd.s32 s2, s20;
	[sflag:s10] =	ssyncadd.s32 $0xFFFFFFB0  }
0xbb: {  	[tilespmem:s11], [sflag:$0x5] =	stream.linear.gather [hbm4b:s21+s5], $0x50, $0x38;
	[tilespmem:$0x1DA80] =	vst v63  }
0xbc: {  	_ =	swait.ge [sflag:s10], $0x50  }
0xbd: {  	[sflag:s10] =	ssyncset.done $0x0  }
0xbe: {  	[sflag:s10] =	ssyncadd.s32 $0xFFFFFFB0  }
0xbf: {  	[tilespmem:s7], [sflag:$0x1] =	stream.indirect.gather [hbm4b:s1+s12], $0x80, s5, s12, $0xb8;
	[tilespmem:$0x1DA80] =	vst v63  }
0xc0: {  	s9 =	sadd.s32 $0xA00, s9  }
0xc1: {  	[tilespmem:s13], [sflag:$0x2] =	stream.linear.gather [hbm4b:s9+s5], $0x2800, $0x38;
	[tilespmem:$0x1DA80] =	vst v63  }
0xc2: {  	_ =	swait.ge [sflag:s29], $0x2800  }
0xc3: {  	[sflag:s29] =	ssyncset.done $0x0  }
0xc4: {  	[sflag:s29] =	ssyncadd.s32 $0xFFFFD800  }
0xc5: {  	_ =	swait.ge [sflag:s30], $0x2800  }
0xc6: {  	[sflag:s30] =	ssyncset.done $0x0  }
0xc7: {  	p6 =	sne.s32 s16, $0x26200;
	[sflag:s30] =	ssyncadd.s32 $0xFFFFD800  }
0xc8: {  	[spmem:s4] =	stream.indirect.scatter.add.f32 [tilespmem:s24], [sflag:$0x5], $0x80, s23, s12, $0xb8;
	[tilespmem:$0x1DA80] =	vst v63  }
.Ltmp0:
0xc9: {  	_ =	swait.ge [sflag:s10], $0x2800;
	(pc) =	sbr.rel @p6 .LBB2_2-.Ltmp0, $4  }
0xca: {  	[sflag:s10] =	ssyncset.done $0x0  }
0xcb: {  	[sflag:s10] =	ssyncadd.s32 $0xFFFFD800  }
0xcc: {  	[spmem:s4] =	stream.indirect.scatter.add.f32 [tilespmem:s25], [sflag:$0x5], $0x80, s23, s12, $0xb8;
	[tilespmem:$0x1DA80] =	vst v63  }
0xcd: {  	s16 =	sadd.s32 $0xA00, s16;
	s17 =	sadd.s32 $0x14, s17;
	_ =	swait.ge [sflag:s10], $0x2800  }
0xce: {  	[sflag:s10] =	ssyncset.done $0x0  }
0xcf: {  	[sflag:s10] =	ssyncadd.s32 $0xFFFFD800  }
0xd0: {  	_ =	swait.ge [sflag:s26], $0x2800  }
0xd1: {  	[sflag:s26] =	ssyncset.done $0x0  }
0xd2: {  	[sflag:s26] =	ssyncadd.s32 $0xFFFFD800  }
0xd3: {  	_ =	swait.ge [sflag:s28], $0x2800  }
0xd4: {  	[sflag:s28] =	ssyncset.done $0x0  }
0xd5: {  	[sflag:s28] =	ssyncadd.s32 $0xFFFFD800  }
0xd6: {  	[spmem:s4] =	stream.indirect.scatter.add.f32 [tilespmem:s7], [sflag:$0x5], $0x80, s11, s12, $0xb8;
	[tilespmem:$0x1DA80] =	vst v63  }
0xd7: {  	_ =	swait.ge [sflag:s10], $0x2800  }
0xd8: {  	[sflag:s10] =	ssyncset.done $0x0  }
0xd9: {  	[sflag:s10] =	ssyncadd.s32 $0xFFFFD800  }
0xda: {  	[spmem:s4] =	stream.indirect.scatter.add.f32 [tilespmem:s13], [sflag:$0x5], $0x80, s11, s12, $0xb8;
	[tilespmem:$0x1DA80] =	vst v63  }
0xdb: {  	_ =	swait.ge [sflag:s10], $0x2800  }
0xdc: {  	[sflag:s10] =	ssyncset.done $0x0  }
0xdd: {  	[sflag:s10] =	ssyncadd.s32 $0xFFFFD800  }
0xde: {  	[bflag:$0x0] =	sbarrier.arrive $0xFFFF  }
0xdf: {  	[tilespmem:s7], [sflag:$0x6] =	stream.linear.gather [spmem:s18], $0x2800, $0x38;
	[tilespmem:$0x1DA80] =	vst v63  }
0xe0: {  	_ =	swait.ge [sflag:s14], $0x2800  }
0xe1: {  	[sflag:s14] =	ssyncset.done $0x0  }
0xe2: {  	s0 =	rddreg [dreg:$0x16];
	[sflag:s14] =	ssyncadd.s32 $0xFFFFD800  }
0xe3: {  	[hbm4b:s0+s5] =	stream.linear.scatter [tilespmem:s7], [sflag:$0x5], $0x2800, $0x38;
	[tilespmem:$0x1DA80] =	vst v63  }
0xe4: {  	_ =	swait.ge [sflag:s10], $0x2800  }
0xe5: {  	[sflag:s10] =	ssyncset.done $0x0  }
0xe6: {  	[sflag:s10] =	ssyncadd.s32 $0xFFFFD800  }
0xe7: {  	[tilespmem:s7], [sflag:$0x6] =	stream.linear.gather [spmem:s3], $0x2800, $0x38;
	[tilespmem:$0x1DA80] =	vst v63  }
0xe8: {  	_ =	swait.ge [sflag:s14], $0x2800  }
0xe9: {  	[sflag:s14] =	ssyncset.done $0x0  }
0xea: {  	s8 =	rddreg [dreg:$0x17];
	[sflag:s14] =	ssyncadd.s32 $0xFFFFD800  }
0xeb: {  	[hbm4b:s8+s5] =	stream.linear.scatter [tilespmem:s7], [sflag:$0x5], $0x2800, $0x38;
	[tilespmem:$0x1DA80] =	vst v63  }
0xec: {  	_ =	swait.ge [sflag:s10], $0x2800  }
0xed: {  	[sflag:s10] =	ssyncset.done $0x0  }
0xee: {  	s21 =	smov.u32 s18;
	s18 =	rddreg [dreg:$0x12];
	[sflag:s10] =	ssyncadd.s32 $0xFFFFD800  }
0xef: {  	[tilespmem:s7], [sflag:$0x6] =	stream.linear.gather [spmem:s18], $0x2800, $0x38;
	[tilespmem:$0x1DA80] =	vst v63  }
0xf0: {  	_ =	swait.ge [sflag:s14], $0x2800  }
0xf1: {  	[sflag:s14] =	ssyncset.done $0x0  }
0xf2: {  	s9 =	rddreg [dreg:$0x18];
	[sflag:s14] =	ssyncadd.s32 $0xFFFFD800  }
0xf3: {  	[hbm4b:s9+s5] =	stream.linear.scatter [tilespmem:s7], [sflag:$0x5], $0x2800, $0x38;
	[tilespmem:$0x1DA80] =	vst v63  }
0xf4: {  	_ =	swait.ge [sflag:s10], $0x2800  }
0xf5: {  	[sflag:s10] =	ssyncset.done $0x0  }
0xf6: {  	s20 =	rddreg [dreg:$0xe];
	[sflag:s10] =	ssyncadd.s32 $0xFFFFD800  }
0xf7: {  	[tilespmem:s7], [sflag:$0x6] =	stream.linear.gather [spmem:s20], $0x2800, $0x38;
	[tilespmem:$0x1DA80] =	vst v63  }
0xf8: {  	_ =	swait.ge [sflag:s14], $0x2800  }
0xf9: {  	[sflag:s14] =	ssyncset.done $0x0  }
0xfa: {  	s15 =	rddreg [dreg:$0x19];
	[sflag:s14] =	ssyncadd.s32 $0xFFFFD800  }
0xfb: {  	[hbm4b:s15+s5] =	stream.linear.scatter [tilespmem:s7], [sflag:$0x5], $0x2800, $0x38;
	[tilespmem:$0x1DA80] =	vst v63  }
0xfc: {  	_ =	swait.ge [sflag:s10], $0x2800  }
0xfd: {  	[sflag:s10] =	ssyncset.done $0x0  }
0xfe: {  	s8 =	rddreg [dreg:$0x11];
	[sflag:s10] =	ssyncadd.s32 $0xFFFFD800  }
0xff: {  	[tilespmem:s7], [sflag:$0x6] =	stream.linear.gather [spmem:s8], $0x2800, $0x38;
	[tilespmem:$0x1DA80] =	vst v63  }
0x100: {  	_ =	swait.ge [sflag:s14], $0x2800  }
0x101: {  	[sflag:s14] =	ssyncset.done $0x0  }
0x102: {  	s16 =	rddreg [dreg:$0x1a];
	[sflag:s14] =	ssyncadd.s32 $0xFFFFD800  }
0x103: {  	[hbm4b:s16+s5] =	stream.linear.scatter [tilespmem:s7], [sflag:$0x5], $0x2800, $0x38;
	[tilespmem:$0x1DA80] =	vst v63  }
0x104: {  	_ =	swait.ge [sflag:s10], $0x2800  }
0x105: {  	s0 =	simm.s32 @!p0 $0x100;
	[sflag:s10] =	ssyncset.done $0x0  }
0x106: {  	s9 =	simm.s32 @!p0 $0x6;
	s15 =	rddreg [dreg:$0x13];
	[sflag:s10] =	ssyncadd.s32 $0xFFFFD800  }
0x107: {  	[tilespmem:s0], [sflag:$0x6] =	stream.linear.gather @!p0 [spmem:s15], $0x2800, $0x38;
	[tilespmem:$0x1DA80] =	vst v63  }
0x108: {  	_ =	swait.ge @!p0 [sflag:s9], $0x2800  }
0x109: {  	s31 =	smov.u32 s3;
	[sflag:s9] =	ssyncset.done @!p0 $0x0  }
0x10a: {  	s3 =	rddreg [dreg:$0x1b];
	[sflag:s9] =	ssyncadd.s32 @!p0 $0xFFFFD800;
	s9 =	simm.s32 @!p0 $0x0  }
0x10b: {  	[hbm4b:s3+s9] =	stream.linear.scatter @!p0 [tilespmem:s0], [sflag:$0x5], $0x2800, $0x38;
	[tilespmem:$0x1DA80] =	vst v63  }
0x10c: {  	s3 =	rddreg [dreg:$0xf]  }
0x10d: {  	s0 =	simm.s32 @!p0 $0x5;
	s9 =	smul.u32 @p1 $0xA000, s3  }
0x10e: {  	_ =	swait.ge @!p0 [sflag:s0], $0x2800  }
0x10f: {  	s16 =	simm.s32 @p1 $0x6;
	[sflag:s0] =	ssyncset.done @!p0 $0x0;
	s9 =	sshrl.u32 @p1 s9, $0x2  }
0x110: {  	[sflag:s0] =	ssyncadd.s32 @!p0 $0xFFFFD800;
	s0 =	sadd.s32 @p1 s9, s4;
	s9 =	simm.s32 @p1 $0x100  }
0x111: {  	[tilespmem:s9], [sflag:$0x6] =	stream.linear.gather @p1 [spmem:s0], $0x2800, $0x38;
	[tilespmem:$0x1DA80] =	vst v63  }
0x112: {  	s0 =	smul.u32 @p1 $0x2800, s3;
	_ =	swait.ge @p1 [sflag:s16], $0x2800  }
0x113: {  	s19 =	rddreg [dreg:$0x9]  }
0x114: {  	s17 =	rddreg [dreg:$0x8];
	s0 =	sadd.s32 @p1 s19, s0  }
0x115: {  	[sflag:s16] =	ssyncset.done @p1 $0x0;
	s3 =	rddreg [dreg:$0x10];
	s0 =	sshrl.u32 @p1 s0, $0x3  }
0x116: {  	[sflag:s16] =	ssyncadd.s32 @p1 $0xFFFFD800;
	s16 =	simm.s32 @p1 $0x0;
	s0 =	sadd.s32 @p1 s17, s0  }
0x117: {  	[hbm4b:s0+s16] =	stream.linear.scatter @p1 [tilespmem:s9], [sflag:$0x5], $0x2800, $0x38;
	[tilespmem:$0x1DA80] =	vst v63  }
0x118: {  	s0 =	simm.s32 @p1 $0x5;
	s9 =	smul.u32 @p5 $0xA000, s3  }
0x119: {  	_ =	swait.ge @p1 [sflag:s0], $0x2800  }
0x11a: {  	[sflag:s0] =	ssyncset.done @p1 $0x0;
	s9 =	sshrl.u32 @p5 s9, $0x2  }
0x11b: {  	[sflag:s0] =	ssyncadd.s32 @p1 $0xFFFFD800;
	s0 =	sadd.s32 @p5 s9, s4;
	s9 =	simm.s32 @p5 $0x100  }
0x11c: {  	[tilespmem:s9], [sflag:$0x6] =	stream.linear.gather @p5 [spmem:s0], $0x2800, $0x38;
	[tilespmem:$0x1DA80] =	vst v63  }
0x11d: {  	s0 =	smul.u32 @p5 $0x2800, s3  }
0x11e: {  	s16 =	simm.s32 @p5 $0x6  }
0x11f: {  	_ =	swait.ge @p5 [sflag:s16], $0x2800;
	s0 =	sadd.s32 @p5 s19, s0  }
0x120: {  	[sflag:s16] =	ssyncset.done @p5 $0x0;
	s0 =	sshrl.u32 @p5 s0, $0x3  }
0x121: {  	[sflag:s16] =	ssyncadd.s32 @p5 $0xFFFFD800;
	s16 =	simm.s32 @p5 $0x0;
	s0 =	sadd.s32 @p5 s17, s0  }
0x122: {  	[hbm4b:s0+s16] =	stream.linear.scatter @p5 [tilespmem:s9], [sflag:$0x5], $0x2800, $0x38;
	[tilespmem:$0x1DA80] =	vst v63  }
0x123: {  	s0 =	simm.s32 @p5 $0x5  }
0x124: {  	_ =	swait.ge @p5 [sflag:s0], $0x2800  }
0x125: {  	s17 =	rddreg [dreg:$0x1f]  }
0x126: {  	s19 =	rddreg [dreg:$0xd];
	s3 =	sadd.s32 $0x1, s17  }
0x127: {  	p6 =	sne.s32 s3, s19  }
.Ltmp1:
0x128: {  	_ = 	snop;
	(pc) =	sbr.rel @p6 .LBB2_1-.Ltmp1, $3  }
0x129: {  	_ =	sdelay $0x1  }
0x12a: {  	[sflag:s0] =	ssyncset.done @p5 $0x0  }
0x12b: {  	[sflag:s0] =	ssyncadd.s32 @p5 $0xFFFFD800  }
0x12c: {  	_ =	sfence.sel $0x180000  }
0x12d: {  	[bflag:$0x0] =	sbarrier.arrive $0xFFFF  }
0x12e: {  	_ =	strace $0x90000047  }
0x12f: {  	s0 =	stileid.u32;
	[bflag:$0x2] =	sbarrier.arrive $0xFFFF  }
0x130: {  	p0 =	sne.s32 s0, $0x0;
	s0 =	rddreg [dreg:$0x5]  }
0x131: {  	s0 =	sadd.s32 @!p0 $0x100000, s0  }
0x132: {  	[sflag:s0] =	ssyncadd.tile.s32 @!p0 $0x1;
	_ =	shalt  }
.Lfunc_end2:
_tile_overlayer_lowered:
.L_overlay_start_2:
0x133: {  	(tag) =	ssettag $0x2  }
0x134: {  	s0 =	rddreg [dreg:$0x0];
	s2 =	stileid.u32  }
0x135: {  	s1 =	rddreg [dreg:$0x1];
	p0 =	sne.s32 s2, $0x0  }
0x136: {  	s3 =	rddreg [dreg:$0x2];
	[bflag:$0x3] =	sbarrier.arrive $0xFFFF;
	s2 =	simm.s32 @!p0 $0x1C05  }
0x137: {  	[timem:s3], [sflag:s2] =	dma.local @!p0 [hbm:s0], s1  }
0x138: {  	s0 =	simm.s32 @!p0 $0x5  }
0x139: {  	_ =	swait.ge @!p0 [sflag:s0], s1  }
0x13a: {  	s1 =	ssub.s32 @!p0 $0x0, s1;
	[sflag:s0] =	ssyncset.done @!p0 $0x0  }
0x13b: {  	[sflag:s0] =	ssyncadd.s32 @!p0 s1  }
0x13c: {  	[bflag:$0x3] =	sbarrier.arrive $0xFFFF  }
0x13d: {  	_ =	shalt  }

// kernel: kernel.8.cloned.1.call-start
scs
__scs_entry_jumppad:
0x0: {  	(pc) =	sbr.rel $0x88, $3  }
0x1: {  	(tag) =	ssettag $0x0;
	lr =	simm.s32 $0x1  }
0x2: {  	[smem:$0x3F9C] =	sst lr;
	_ =	strace $0xD0000000  }
0x3: {  	_ = 	snop  }
0x4: {  	_ = 	snop  }
0x5: {  	_ = 	snop  }
0x6: {  	_ = 	snop  }
0x7: {  	_ = 	snop  }
__scs_overlays_trampoline_lowered:
0x8: {  	[smem:$0x3FAB] =	sst s0  }
0x9: {  	[smem:$0x3FAC] =	sst s1  }
0xa: {  	[smem:$0x3FAD] =	sst s2  }
0xb: {  	[smem:$0x3FAE] =	sst s3  }
0xc: {  	[smem:$0x3FAF] =	sst s4  }
0xd: {  	[smem:$0x3FB0] =	sst s5  }
0xe: {  	[smem:$0x3FB1] =	sst s6  }
0xf: {  	[smem:$0x3FB2] =	sst s7  }
0x10: {  	[smem:$0x3FB3] =	sst s8  }
0x11: {  	[smem:$0x3FB4] =	sst s9;
	s0 =	simm.s32 @!p0 $0x0  }
0x12: {  	s1 =	sld [smem:$0x3F9A];
	s0 =	simm.s32 @p0 $0x1  }
0x13: {  	[smem:$0x3FB5] =	sst s0;
	s0 =	simm.s32 @!p1 $0x0  }
0x14: {  	s2 =	sld [smem:$0x3F99];
	s0 =	simm.s32 @p1 $0x1  }
0x15: {  	[smem:$0x3FB6] =	sst s0;
	s0 =	simm.s32 @!p2 $0x0  }
0x16: {  	s3 =	sld [smem:$0x3FDB];
	s0 =	simm.s32 @p2 $0x1  }
0x17: {  	s4 =	simm.s32 $0x1BF5;
	[smem:$0x3FB8] =	sst s0  }
0x18: {  	s0 =	sld [smem:$0x3F9B];
	_ =	swait.ge [sflag:s4], $0x0  }
0x19: {  	s7 =	sld [smem:$0x3F9C]  }
0x1a: {  	s8 =	sadd.s32 $0xFFFFE003, lr  }
0x1b: {  	s9 =	sadd.s32 $0xFFFFFEF7, lr;
	s5 =	simm.s32 $0xFFFFFFFF;
	p2 =	slt.u32 s8, $0xFFFFF086  }
0x1c: {  	p1 =	slt.u32 s9, $0xF7A;
	s5 =	simm.s32 @!p2 $0x0  }
0x1d: {  	s5 =	simm.s32 @p1 $0x1;
	p0 =	seq.s32 s7, s2  }
0x1e: {  	s7 =	smul.u32 @!p0 $0xF7A, s2;
	p2 =	seq.s32 @!p0 s5, $0x0  }
0x1f: {  	s9 =	smul.u32 $0xF7A, s1;
	s8 =	simm.s32 @!p0 $0x1BF5;
	p2 =	por !p2, p0  }
0x20: {  	[sflag:s8] =	ssyncset.s32 @!p0 $0xFFFFF086;
	s6 =	sadd.s32 @!p0 s3, s7;
	s7 =	simm.s32 @!p0 $0x108  }
0x21: {  	s3 =	sadd.s32 s3, s9;
	s6 =	sadd.s32 @!p0 $0x88, s6;
	s7 =	simm.s32 @p2 $0x1082  }
0x22: {  	[simem:s7], [sflag:s8] =	dma.local @!p0 [hbm:s6], $0xF7A  }
0x23: {  	s9 =	sor.u32 $0xD0000000, s2;
	s6 =	simm.s32 $0x108;
	_ =	swait.ge @!p0 [sflag:s8], $0x0  }
0x24: {  	s3 =	sadd.s32 $0x88, s3;
	s6 =	simm.s32 @!p1 $0x1082;
	[sflag:s4] =	ssyncset.s32 $0xFFFFF086  }
0x25: {  	[simem:s6], [sflag:s4] =	dma.local [hbm:s3], $0xF7A  }
0x26: {  	[smem:$0x3F9C] =	sst s1;
	(tag) =	ssettag s2;
	_ =	strace s9  }
0x27: {  	s1 =	sld [smem:$0x3FAC]  }
0x28: {  	s2 =	sld [smem:$0x3FAD]  }
0x29: {  	s4 =	sld [smem:$0x3FAF]  }
0x2a: {  	p0 =	seq.s32 s5, $0x0;
	s5 =	sld [smem:$0x3FB0]  }
0x2b: {  	s6 =	sld [smem:$0x3FB1]  }
0x2c: {  	s7 =	sld [smem:$0x3FB2]  }
0x2d: {  	s3 =	simm.s32 $0x108;
	s8 =	sld [smem:$0x3FB3]  }
0x2e: {  	s3 =	simm.s32 @!p0 $0x1082;
	s9 =	sld [smem:$0x3FB4]  }
0x2f: {  	lr =	sadd.s32 s0, s3;
	s0 =	sld [smem:$0x3FAB]  }
0x30: {  	s3 =	sld [smem:$0x3FAE]  }
0x31: {  	[smem:$0x3FB7] =	sst s10  }
0x32: {  	s10 =	sld [smem:$0x3FB5];
	_ =	sdelay $0x3  }
0x33: {  	p0 =	seq.s32 s10, $0x1;
	s10 =	sld [smem:$0x3FB7];
	_ =	sdelay $0x3  }
0x34: {  	[smem:$0x3FB7] =	sst s10  }
0x35: {  	s10 =	sld [smem:$0x3FB6];
	_ =	sdelay $0x3  }
0x36: {  	p1 =	seq.s32 s10, $0x1;
	s10 =	sld [smem:$0x3FB7];
	_ =	sdelay $0x3  }
0x37: {  	[smem:$0x3FB7] =	sst s10  }
0x38: {  	s10 =	sld [smem:$0x3FB8]  }
0x39: {  	_ = 	snop;
	(pc) =	sbr.ind lr, $3  }
0x3a: {  	_ = 	snop  }
0x3b: {  	_ = 	snop  }
0x3c: {  	p2 =	seq.s32 s10, $0x1;
	s10 =	sld [smem:$0x3FB7]  }
0x3d: {  	_ =	shalt  }
0x3e: {  	_ =	shalt  }
0x3f: {  	_ =	shalt  }
0x40: {  	_ =	shalt  }
0x41: {  	_ =	shalt  }
0x42: {  	_ =	shalt  }
0x43: {  	_ =	shalt  }
0x44: {  	_ =	shalt  }
0x45: {  	_ =	shalt  }
0x46: {  	_ =	shalt  }
0x47: {  	_ =	shalt  }
0x48: {  	_ =	shalt  }
0x49: {  	_ =	shalt  }
0x4a: {  	_ =	shalt  }
0x4b: {  	_ =	shalt  }
0x4c: {  	_ =	shalt  }
0x4d: {  	_ =	shalt  }
0x4e: {  	_ =	shalt  }
0x4f: {  	_ =	shalt  }
0x50: {  	_ =	shalt  }
0x51: {  	_ =	shalt  }
0x52: {  	_ =	shalt  }
0x53: {  	_ =	shalt  }
0x54: {  	_ =	shalt  }
0x55: {  	_ =	shalt  }
0x56: {  	_ =	shalt  }
0x57: {  	_ =	shalt  }
0x58: {  	_ =	shalt  }
0x59: {  	_ =	shalt  }
0x5a: {  	_ =	shalt  }
0x5b: {  	_ =	shalt  }
0x5c: {  	_ =	shalt  }
0x5d: {  	_ =	shalt  }
0x5e: {  	_ =	shalt  }
0x5f: {  	_ =	shalt  }
0x60: {  	_ =	shalt  }
0x61: {  	_ =	shalt  }
0x62: {  	_ =	shalt  }
0x63: {  	_ =	shalt  }
0x64: {  	_ =	shalt  }
0x65: {  	_ =	shalt  }
0x66: {  	_ =	shalt  }
0x67: {  	_ =	shalt  }
0x68: {  	_ =	shalt  }
0x69: {  	_ =	shalt  }
0x6a: {  	_ =	shalt  }
0x6b: {  	_ =	shalt  }
0x6c: {  	_ =	shalt  }
0x6d: {  	_ =	shalt  }
0x6e: {  	_ =	shalt  }
0x6f: {  	_ =	shalt  }
0x70: {  	_ =	shalt  }
0x71: {  	_ =	shalt  }
0x72: {  	_ =	shalt  }
0x73: {  	_ =	shalt  }
0x74: {  	_ =	shalt  }
0x75: {  	_ =	shalt  }
0x76: {  	_ =	shalt  }
0x77: {  	_ =	shalt  }
0x78: {  	_ =	shalt  }
0x79: {  	_ =	shalt  }
0x7a: {  	_ =	shalt  }
0x7b: {  	_ =	shalt  }
0x7c: {  	_ =	shalt  }
0x7d: {  	_ =	shalt  }
0x7e: {  	_ =	shalt  }
0x7f: {  	_ =	shalt  }
0x80: {  	_ =	shalt  }
0x81: {  	_ =	shalt  }
0x82: {  	_ =	shalt  }
0x83: {  	_ =	shalt  }
0x84: {  	_ =	shalt  }
0x85: {  	_ =	shalt  }
0x86: {  	_ =	shalt  }
0x87: {  	_ =	shalt  }
.Lfunc_end0:
.L_simem_size_0:
called_computation.1_lowered:
.L_overlay_start_0:
0x88: {  	s2 =	sld [smem:$0x3FD9]  }
0x89: {  	s3 =	sld [smem:$0x3FFE];
	_ =	sdelay $0x1  }
0x8a: {  	s1 =	srdreg.scid  }
0x8b: {  	s0 =	sand.u32 $0x1, s1  }
0x8c: {  	s17 =	sshll.u32 s0, $0xA;
	s2 =	sadd.s32 s3, s2  }
0x8d: {  	s2 =	sadd.s32 s2, s17  }
0x8e: {  	[smem:$0x3FC3] =	sst s2  }
0x8f: {  	_ = 	snop  }
0x90: {  	s18 =	sld [smem:$0x3FD0];
	(tm) =	ssettm $0x1  }
0x91: {  	s19 =	sld [smem:$0x3FFB];
	_ =	sdelay $0x3  }
0x92: {  	_ =	strace s19  }
0x93: {  	s2 =	sld [smem:$0x3FFC];
	_ =	sdelay $0x3  }
0x94: {  	_ =	strace s2  }
0x95: {  	s2 =	sld [smem:$0x3FFD];
	_ =	sdelay $0x3  }
0x96: {  	_ =	strace s2  }
0x97: {  	_ =	strace $0x8FFFFFFF  }
0x98: {  	s20 =	sld [smem:$0x3FDB];
	_ =	sdelay $0x1  }
0x99: {  	s4 =	simm.s32 $_scs_section_size  }
0x9a: {  	s5 =	simm.s32 $_size__tile_overlayer_lowered;
	s6 =	simm.s32 $_tile_overlayer_lowered  }
0x9b: {  	s7 =	simm.s32 $0x1BFF;
	s21 =	sshll.u32 s6, $0x1;
	s4 =	sadd.s32 s4, s20  }
0x9c: {  	s22 =	simm.s32 $0x0;
	s5 =	sshll.u32 s5, $0x1;
	s6 =	sadd.s32 s21, s4  }
0x9d: {  	[timem:s22], [sflag:s7] =	dma.local [hbm:s6], s5  }
0x9e: {  	_ =	swait.ge [sflag:s7], s5  }
0x9f: {  	s5 =	ssub.s32 $0x0, s5;
	[sflag:s7] =	ssyncset.done $0x0  }
0xa0: {  	[sflag:s7] =	ssyncadd.s32 s5;
	_ =	sdelay $0x1  }
0xa1: {  	s23 =	simm.s32 $0x1B8B  }
0xa2: {  	_ =	swait.ge [sflag:s23], $0x1  }
0xa3: {  	[sflag:s23] =	ssyncset.done $0x0  }
0xa4: {  	[sflag:s23] =	ssyncadd.s32 $0xFFFFFFFF  }
0xa5: {  	s5 =	sld [smem:$0x0]  }
0xa6: {  	s6 =	sand.u32 $0xFFFFFFFE, s1  }
0xa7: {  	p0 =	sne.s32 s1, s6  }
0xa8: {  	s6 =	sshll.u32 @p0 s6, $0xE  }
0xa9: {  	s6 =	sadd.s32 @p0 $0x11B8D, s6;
	s7 =	sshll.u32 @p0 s5, $0x11  }
0xaa: {  	s6 =	sor.u32 @p0 s7, s6  }
0xab: {  	[sflag:s6] =	ssyncadd.remote.s32 @p0 $0x1;
	_ =	sdelay $0x1  }
0xac: {  	s6 =	simm.s32 @p0 $0x1B8D  }
0xad: {  	_ =	swait.eq @p0 [sflag:s6], $0x1  }
0xae: {  	[sflag:s6] =	ssyncadd.s32 @p0 $0xFFFFFFFF  }
0xaf: {  	s7 =	sshll.u32 @!p0 s1, $0xE  }
0xb0: {  	s7 =	sor.u32 @!p0 $0x4000, s7;
	s6 =	simm.s32 @!p0 $0x1B8D  }
0xb1: {  	s5 =	sshll.u32 @!p0 s5, $0x11;
	s7 =	sadd.s32 @!p0 $0x11B8D, s7;
	_ =	swait.eq @!p0 [sflag:s6], $0x1  }
0xb2: {  	s5 =	sor.u32 @!p0 s5, s7;
	[sflag:s6] =	ssyncadd.s32 @!p0 $0xFFFFFFFF  }
0xb3: {  	s25 =	simm.s32 $0x1B8E;
	s24 =	sld [smem:$0x3FFE];
	[sflag:s5] =	ssyncadd.remote.s32 @!p0 $0x1  }
0xb4: {  	s26 =	simm.s32 $execute0_lowered;
	[smem:$0x3FD2] =	sst s25  }
0xb5: {  	s6 =	sshll.u32 s26, $0x1;
	_ =	strace $0x80000049;
	[dreg:$0x1] =	wrdreg $0xFFFFFFFF  }
0xb6: {  	s28 =	simm.s32 $_size_execute0_lowered;
	s4 =	sadd.s32 s4, s6;
	[dreg:$0x0] =	wrdreg $0x0  }
0xb7: {  	s6 =	sshll.u32 s28, $0x1;
	[dreg:$0x2] =	wrdreg s4  }
0xb8: {  	[dreg:$0x3] =	wrdreg s6  }
0xb9: {  	[dreg:$0x4] =	wrdreg $0xC0  }
0xba: {  	_ =	task [dreg:s22], $0x5FFFF  }
0xbb: {  	[dreg:$0x1] =	wrdreg $0xFFFFFFFF  }
0xbc: {  	[dreg:$0x0] =	wrdreg $0x60  }
0xbd: {  	[dreg:$0x2] =	wrdreg s18  }
0xbe: {  	[dreg:$0x3] =	wrdreg s24  }
0xbf: {  	[dreg:$0x4] =	wrdreg $0x50800  }
0xc0: {  	[dreg:$0x5] =	wrdreg $0xA  }
0xc1: {  	_ =	task.clear_ibuf [dreg:s22], $0x6FFFF;
	_ =	strace $0x90000049  }
0xc2: {  	s29 =	simm.s32 $0xA;
	_ =	strace $0x8000004B  }
0xc3: {  	_ =	swait.ge [sflag:s29], $0x1  }
0xc4: {  	[sflag:s29] =	ssyncadd.s32 $0xFFFFFFFF  }
0xc5: {  	_ =	strace $0x9000004B  }
0xc6: {  	_ =	sfence  }
0xc7: {  	s30 =	sld [smem:$0x0];
	_ =	sdelay $0x2  }
0xc8: {  	s31 =	sshll.u32 s1, $0xD;
	s1 =	sshrl.u32 s1, $0x2  }
0xc9: {  	s4 =	sand.u32 $0x4000, s31;
	s1 =	sadd.s32 s1, s30  }
0xca: {  	s0 =	sor.u32 s4, s0;
	s1 =	sshll.u32 s1, $0x11  }
0xcb: {  	s0 =	sor.u32 s1, s0  }
0xcc: {  	s0 =	sadd.s32 $0x8F2B, s0  }
0xcd: {  	[sflag:s0] =	ssyncadd.remote.s32 $0x1  }
0xce: {  	_ =	sfence.sel $0xFFFF  }
0xcf: {  	[dreg:$0x0] =	wrdreg $0xFFFFFFFF;
	(pc) =	sbr.abs _section_cstart, $3  }
0xd0: {  	[dreg:$0x1] =	wrdreg $0xFFFFFFFF  }
0xd1: {  	_ =	task.clear_ibuf [dreg:s22], $0x2FFFF;
	_ =	strace $0x9FFFFFFF  }
0xd2: {  	(tm) =	ssettm $0x7FFFFFFF  }
0xd3: {  	_ =	shalt  }
tec
execute0_lowered:
.L_overlay_start_1:
0x0: {  	(tag) =	ssettag $0x1  }
0x1: {  	s0 =	rddreg [dreg:$0x0]  }
0x2: {  	s3 =	rddreg [dreg:$0x1]  }
0x3: {  	s1 =	rddreg [dreg:$0x2];
	s2 =	simm.s32 $0x0  }
0x4: {  	s4 =	srdreg.scid;
	p1 =	por $0x0, $0x0;
	s28 =	simm.s32 $0x1  }
0x5: {  	s29 =	simm.s32 $0x2880;
	[smem:$0x7FF] =	sst s2;
	s5 =	sadd.s32 $0xAC00, s3  }
0x6: {  	_ =	strace $0x8000004A;
	[dreg:$0x4] =	wrdreg s5;
	s5 =	stileid.u32  }
0x7: {  	s30 =	simm.s32 $0x50;
	s4 =	sand.u32 $0x1, s4;
	s9 =	smul.u32 $0x50000, s5  }
0x8: {  	s31 =	simm.s32 $0x2;
	s7 =	ssub.s32 $0x2, s4;
	s18 =	smul.u32 $0x9C4, s5  }
0x9: {  	s6 =	sadd.s32 $0x59400, s3;
	s8 =	sshrl.u32 s7, $0x1;
	s20 =	smul.u32 $0x14000, s5  }
0xa: {  	[dreg:$0x5] =	wrdreg s6;
	s26 =	ssub.s32 s7, s8;
	s7 =	smul.u32 $0x138800, s4  }
0xb: {  	s12 =	sshll.u32 s5, $0x3;
	s16 =	sshllo.u32 s5, $0x3;
	s4 =	smul.u32 $0x4E2, s4  }
0xc: {  	s6 =	sadd.s32 $0x59A00, s3;
	s19 =	sor.u32 $0x1, s12;
	s25 =	smul.u32 $0xA000, s16  }
0xd: {  	p0 =	seq.s32 s5, $0xF;
	s8 =	sor.u32 $0x2, s12;
	s10 =	smul.u32 $0xA000, s19  }
0xe: {  	s21 =	sor.u32 $0x3, s12;
	s22 =	sor.u32 $0x4, s12;
	s11 =	smul.u32 $0xA000, s8  }
0xf: {  	s23 =	sor.u32 $0x5, s12;
	s12 =	sor.u32 $0x6, s12;
	s13 =	smul.u32 $0xA000, s21  }
0x10: {  	p4 =	sgt.u32 @!p0 s16, $0x7C;
	s16 =	simm.s32 @p0 $0x7F;
	s14 =	smul.u32 $0xA000, s22  }
0x11: {  	s3 =	smax.u32 s26, $0x1;
	s9 =	sshrl.u32 s9, $0x2;
	s15 =	smul.u32 $0xA000, s23  }
0x12: {  	s17 =	smul.u32 $0xA000, s12;
	p5 =	slt.u32 s12, $0x7D;
	s0 =	sadd.s32 s18, s0  }
0x13: {  	s23 =	smul.u32 $0x2800, s23;
	p2 =	sgt.u32 @!p0 s12, $0x7C;
	p3 =	por p4, p0  }
0x14: {  	p4 =	por !p4, p0;
	s12 =	simm.s32 @p0 $0x7E;
	[dreg:$0x6] =	wrdreg s3  }
0x15: {  	s9 =	sadd.s32 s9, s1;
	s26 =	sadd.s32 s7, s20;
	s3 =	smul.u32 $0x2800, s8  }
0x16: {  	s8 =	smul.u32 $0x2800, s21;
	p2 =	por p2, p0;
	p1 =	por @!p0 p5, p5  }
0x17: {  	s10 =	sshrl.u32 s10, $0x2;
	s11 =	sshrl.u32 s11, $0x2;
	s13 =	sshrl.u32 s13, $0x2  }
0x18: {  	s14 =	sshrl.u32 s14, $0x2;
	s15 =	sshrl.u32 s15, $0x2;
	s24 =	sshrl.u32 s17, $0x2  }
0x19: {  	s17 =	sadd.s32 s4, s0;
	s0 =	sshrl.u32 s25, $0x2;
	s4 =	sshrl.u32 s26, $0x3  }
0x1a: {  	s26 =	smul.u32 $0x2800, s22;
	s10 =	sadd.s32 s10, s1;
	s11 =	sadd.s32 s11, s1  }
0x1b: {  	s13 =	sadd.s32 s13, s1;
	s14 =	sadd.s32 s14, s1;
	s15 =	sadd.s32 s15, s1  }
0x1c: {  	s18 =	sadd.s32 s24, s1;
	s24 =	smul.u32 $0x2800, s19;
	s19 =	sadd.s32 s0, s1  }
0x1d: {  	s20 =	sadd.s32 s6, s4;
	s3 =	sadd.s32 s7, s3;
	s0 =	sadd.s32 s7, s8  }
0x1e: {  	s3 =	sshrl.u32 s3, $0x3;
	s0 =	sshrl.u32 s0, $0x3;
	s8 =	sadd.s32 s7, s26  }
0x1f: {  	s25 =	sadd.s32 s7, s24;
	s22 =	sadd.s32 s6, s3;
	s24 =	sadd.s32 s7, s23  }
0x20: {  	s23 =	sadd.s32 s6, s0;
	s0 =	simm.s32 $0x0;
	s4 =	sshrl.u32 s25, $0x3  }
0x21: {  	s25 =	sshrl.u32 s8, $0x3;
	s26 =	sshrl.u32 s24, $0x3;
	s21 =	sadd.s32 s6, s4  }
0x22: {  	s24 =	sadd.s32 s6, s25;
	s25 =	sadd.s32 s6, s26;
	s26 =	simm.s32 $0x80  }
.LBB2_1:
0x23: {  	s3 =	rddreg [dreg:$0x4]  }
0x24: {  	[tilespmem:s26], [sflag:$0x1] =	stream.linear.gather [hbm4b:s3+s2], $0x2800, $0x38;
	[tilespmem:$0x18900] =	vst v63  }
0x25: {  	_ =	swait.ge [sflag:s28], $0x2800  }
0x26: {  	[sflag:s28] =	ssyncset.done $0x0  }
0x27: {  	s5 =	rddreg [dreg:$0x5];
	[sflag:s28] =	ssyncadd.s32 $0xFFFFD800  }
0x28: {  	[tilespmem:s29], [sflag:$0x1] =	stream.linear.gather [hbm4b:s5+s2], $0x2800, $0x38;
	[tilespmem:$0x18900] =	vst v63  }
0x29: {  	_ =	swait.ge [sflag:s28], $0x2800  }
0x2a: {  	[sflag:s28] =	ssyncset.done $0x0  }
0x2b: {  	[sflag:s28] =	ssyncadd.s32 $0xFFFFD800  }
0x2c: {  	[spmem:s9] =	stream.linear.scatter [tilespmem:s26], [sflag:$0x1], $0x2800, $0x38;
	[tilespmem:$0x18900] =	vst v63  }
0x2d: {  	_ =	swait.ge [sflag:s28], $0x2800  }
0x2e: {  	[sflag:s28] =	ssyncset.done $0x0  }
0x2f: {  	[sflag:s28] =	ssyncadd.s32 $0xFFFFD800  }
0x30: {  	[spmem:s10] =	stream.linear.scatter [tilespmem:s26], [sflag:$0x1], $0x2800, $0x38;
	[tilespmem:$0x18900] =	vst v63  }
0x31: {  	_ =	swait.ge [sflag:s28], $0x2800  }
0x32: {  	[sflag:s28] =	ssyncset.done $0x0  }
0x33: {  	[sflag:s28] =	ssyncadd.s32 $0xFFFFD800  }
0x34: {  	[spmem:s11] =	stream.linear.scatter [tilespmem:s26], [sflag:$0x1], $0x2800, $0x38;
	[tilespmem:$0x18900] =	vst v63  }
0x35: {  	_ =	swait.ge [sflag:s28], $0x2800  }
0x36: {  	[sflag:s28] =	ssyncset.done $0x0  }
0x37: {  	[sflag:s28] =	ssyncadd.s32 $0xFFFFD800  }
0x38: {  	[spmem:s13] =	stream.linear.scatter [tilespmem:s26], [sflag:$0x1], $0x2800, $0x38;
	[tilespmem:$0x18900] =	vst v63  }
0x39: {  	_ =	swait.ge [sflag:s28], $0x2800  }
0x3a: {  	[sflag:s28] =	ssyncset.done $0x0  }
0x3b: {  	[sflag:s28] =	ssyncadd.s32 $0xFFFFD800  }
0x3c: {  	[spmem:s14] =	stream.linear.scatter [tilespmem:s26], [sflag:$0x1], $0x2800, $0x38;
	[tilespmem:$0x18900] =	vst v63  }
0x3d: {  	_ =	swait.ge [sflag:s28], $0x2800  }
0x3e: {  	[sflag:s28] =	ssyncset.done $0x0  }
0x3f: {  	s3 =	simm.s32 @!p0 $0x80;
	[sflag:s28] =	ssyncadd.s32 $0xFFFFD800  }
0x40: {  	[spmem:s15] =	stream.linear.scatter @!p0 [tilespmem:s3], [sflag:$0x1], $0x2800, $0x38;
	[tilespmem:$0x18900] =	vst v63  }
0x41: {  	s3 =	simm.s32 @!p0 $0x1  }
0x42: {  	_ =	swait.ge @!p0 [sflag:s3], $0x2800  }
0x43: {  	[sflag:s3] =	ssyncset.done @!p0 $0x0  }
0x44: {  	[sflag:s3] =	ssyncadd.s32 @!p0 $0xFFFFD800;
	s3 =	simm.s32 @!p2 $0x80  }
0x45: {  	[spmem:s18] =	stream.linear.scatter @!p2 [tilespmem:s3], [sflag:$0x1], $0x2800, $0x38;
	[tilespmem:$0x18900] =	vst v63  }
0x46: {  	s3 =	simm.s32 @!p2 $0x1  }
0x47: {  	_ =	swait.ge @!p2 [sflag:s3], $0x2800  }
0x48: {  	[sflag:s3] =	ssyncset.done @!p2 $0x0  }
0x49: {  	[sflag:s3] =	ssyncadd.s32 @!p2 $0xFFFFD800;
	s3 =	simm.s32 @!p3 $0x80  }
0x4a: {  	[spmem:s19] =	stream.linear.scatter @!p3 [tilespmem:s3], [sflag:$0x1], $0x2800, $0x38;
	[tilespmem:$0x18900] =	vst v63  }
0x4b: {  	s3 =	simm.s32 @!p3 $0x1  }
0x4c: {  	_ =	swait.ge @!p3 [sflag:s3], $0x2800  }
0x4d: {  	[sflag:s3] =	ssyncset.done @!p3 $0x0  }
0x4e: {  	[sflag:s3] =	ssyncadd.s32 @!p3 $0xFFFFD800  }
0x4f: {  	s8 =	sadd.s32 $0x0, s17;
	[bflag:$0x0] =	sbarrier.arrive $0xFFFF  }
0x50: {  	[tilespmem:s2], [sflag:$0x1] =	stream.linear.gather [hbm4b:s8+s2], $0x50, $0x38;
	[tilespmem:$0x18900] =	vst v63  }
0x51: {  	_ =	swait.ge [sflag:s28], $0x50  }
0x52: {  	p5 =	por @!p0 $0x0, $0x0;
	[sflag:s28] =	ssyncset.done $0x0  }
0x53: {  	p6 =	por @!p3 $0x1, $0x1;
	s4 =	simm.s32 $0x14;
	[sflag:s28] =	ssyncadd.s32 $0xFFFFFFB0  }
0x54: {  	[spmem:s1] =	stream.indirect.scatter.add.f32 [tilespmem:s29], [sflag:$0x1], $0x80, s2, s30, $0xb8;
	[tilespmem:$0x18900] =	vst v63  }
0x55: {  	p6 =	por @!p4 p5, p5;
	p5 =	por $0x0, $0x0;
	_ =	swait.ge [sflag:s28], $0x2800  }
0x56: {  	p5 =	por @!p0 p6, p6;
	s3 =	simm.s32 $0xA;
	[sflag:s28] =	ssyncset.done $0x0  }
.LBB2_2:
0x57: {  	s5 =	sadd.s32 s3, s17  }
0x58: {  	[sflag:s28] =	ssyncadd.s32 $0xFFFFD800;
	s3 =	smov.u32 s4;
	s8 =	sadd.s32 $0xA, s4  }
0x59: {  	[tilespmem:s2], [sflag:$0x1] =	stream.linear.gather [hbm4b:s5+s2], $0x50, $0x38;
	[tilespmem:$0x18900] =	vst v63  }
0x5a: {  	p6 =	sne.s32 s4, $0x4D8;
	_ =	swait.ge [sflag:s28], $0x50  }
.Ltmp0:
0x5b: {  	[sflag:s28] =	ssyncset.done $0x0;
	(pc) =	sbr.rel @p6 .LBB2_2-.Ltmp0, $4  }
0x5c: {  	[sflag:s28] =	ssyncadd.s32 $0xFFFFFFB0  }
0x5d: {  	[spmem:s1] =	stream.indirect.scatter.add.f32 [tilespmem:s29], [sflag:$0x1], $0x80, s2, s30, $0xb8;
	[tilespmem:$0x18900] =	vst v63  }
0x5e: {  	_ =	swait.ge [sflag:s28], $0x2800  }
0x5f: {  	s4 =	smov.u32 s8;
	[sflag:s28] =	ssyncset.done $0x0  }
0x60: {  	s3 =	sadd.s32 s3, s17;
	[sflag:s28] =	ssyncadd.s32 $0xFFFFD800  }
0x61: {  	[tilespmem:s2], [sflag:$0x1] =	stream.linear.gather [hbm4b:s3+s2], $0x50, $0x38;
	[tilespmem:$0x18900] =	vst v63  }
0x62: {  	_ =	swait.ge [sflag:s28], $0x50  }
0x63: {  	[sflag:s28] =	ssyncset.done $0x0  }
0x64: {  	[sflag:s28] =	ssyncadd.s32 $0xFFFFFFB0  }
0x65: {  	[spmem:s1] =	stream.indirect.scatter.add.f32 [tilespmem:s29], [sflag:$0x1], $0x80, s2, s30, $0xb8;
	[tilespmem:$0x18900] =	vst v63  }
0x66: {  	_ =	swait.ge [sflag:s28], $0x2800  }
0x67: {  	[sflag:s28] =	ssyncset.done $0x0  }
0x68: {  	[sflag:s28] =	ssyncadd.s32 $0xFFFFD800  }
0x69: {  	[bflag:$0x0] =	sbarrier.arrive $0xFFFF  }
0x6a: {  	[tilespmem:s26], [sflag:$0x2] =	stream.linear.gather [spmem:s9], $0x2800, $0x38;
	[tilespmem:$0x18900] =	vst v63  }
0x6b: {  	_ =	swait.ge [sflag:s31], $0x2800  }
0x6c: {  	[sflag:s31] =	ssyncset.done $0x0  }
0x6d: {  	[sflag:s31] =	ssyncadd.s32 $0xFFFFD800  }
0x6e: {  	[hbm4b:s20+s2] =	stream.linear.scatter [tilespmem:s26], [sflag:$0x1], $0x2800, $0x38;
	[tilespmem:$0x18900] =	vst v63  }
0x6f: {  	_ =	swait.ge [sflag:s28], $0x2800  }
0x70: {  	[sflag:s28] =	ssyncset.done $0x0  }
0x71: {  	[sflag:s28] =	ssyncadd.s32 $0xFFFFD800  }
0x72: {  	[tilespmem:s26], [sflag:$0x2] =	stream.linear.gather [spmem:s10], $0x2800, $0x38;
	[tilespmem:$0x18900] =	vst v63  }
0x73: {  	_ =	swait.ge [sflag:s31], $0x2800  }
0x74: {  	[sflag:s31] =	ssyncset.done $0x0  }
0x75: {  	[sflag:s31] =	ssyncadd.s32 $0xFFFFD800  }
0x76: {  	[hbm4b:s21+s2] =	stream.linear.scatter [tilespmem:s26], [sflag:$0x1], $0x2800, $0x38;
	[tilespmem:$0x18900] =	vst v63  }
0x77: {  	_ =	swait.ge [sflag:s28], $0x2800  }
0x78: {  	[sflag:s28] =	ssyncset.done $0x0  }
0x79: {  	[sflag:s28] =	ssyncadd.s32 $0xFFFFD800  }
0x7a: {  	[tilespmem:s26], [sflag:$0x2] =	stream.linear.gather [spmem:s11], $0x2800, $0x38;
	[tilespmem:$0x18900] =	vst v63  }
0x7b: {  	_ =	swait.ge [sflag:s31], $0x2800  }
0x7c: {  	[sflag:s31] =	ssyncset.done $0x0  }
0x7d: {  	[sflag:s31] =	ssyncadd.s32 $0xFFFFD800  }
0x7e: {  	[hbm4b:s22+s2] =	stream.linear.scatter [tilespmem:s26], [sflag:$0x1], $0x2800, $0x38;
	[tilespmem:$0x18900] =	vst v63  }
0x7f: {  	_ =	swait.ge [sflag:s28], $0x2800  }
0x80: {  	[sflag:s28] =	ssyncset.done $0x0  }
0x81: {  	[sflag:s28] =	ssyncadd.s32 $0xFFFFD800  }
0x82: {  	[tilespmem:s26], [sflag:$0x2] =	stream.linear.gather [spmem:s13], $0x2800, $0x38;
	[tilespmem:$0x18900] =	vst v63  }
0x83: {  	_ =	swait.ge [sflag:s31], $0x2800  }
0x84: {  	[sflag:s31] =	ssyncset.done $0x0  }
0x85: {  	[sflag:s31] =	ssyncadd.s32 $0xFFFFD800  }
0x86: {  	[hbm4b:s23+s2] =	stream.linear.scatter [tilespmem:s26], [sflag:$0x1], $0x2800, $0x38;
	[tilespmem:$0x18900] =	vst v63  }
0x87: {  	_ =	swait.ge [sflag:s28], $0x2800  }
0x88: {  	[sflag:s28] =	ssyncset.done $0x0  }
0x89: {  	[sflag:s28] =	ssyncadd.s32 $0xFFFFD800  }
0x8a: {  	[tilespmem:s26], [sflag:$0x2] =	stream.linear.gather [spmem:s14], $0x2800, $0x38;
	[tilespmem:$0x18900] =	vst v63  }
0x8b: {  	_ =	swait.ge [sflag:s31], $0x2800  }
0x8c: {  	[sflag:s31] =	ssyncset.done $0x0  }
0x8d: {  	[sflag:s31] =	ssyncadd.s32 $0xFFFFD800  }
0x8e: {  	[hbm4b:s24+s2] =	stream.linear.scatter [tilespmem:s26], [sflag:$0x1], $0x2800, $0x38;
	[tilespmem:$0x18900] =	vst v63  }
0x8f: {  	_ =	swait.ge [sflag:s28], $0x2800  }
0x90: {  	[sflag:s28] =	ssyncset.done $0x0  }
0x91: {  	s4 =	simm.s32 @!p0 $0x2;
	s3 =	simm.s32 @!p0 $0x80;
	[sflag:s28] =	ssyncadd.s32 $0xFFFFD800  }
0x92: {  	[tilespmem:s3], [sflag:$0x2] =	stream.linear.gather @!p0 [spmem:s15], $0x2800, $0x38;
	[tilespmem:$0x18900] =	vst v63  }
0x93: {  	_ =	swait.ge @!p0 [sflag:s4], $0x2800  }
0x94: {  	[sflag:s4] =	ssyncset.done @!p0 $0x0  }
0x95: {  	[sflag:s4] =	ssyncadd.s32 @!p0 $0xFFFFD800;
	s4 =	simm.s32 @!p0 $0x0  }
0x96: {  	[hbm4b:s25+s4] =	stream.linear.scatter @!p0 [tilespmem:s3], [sflag:$0x1], $0x2800, $0x38;
	[tilespmem:$0x18900] =	vst v63  }
0x97: {  	s3 =	simm.s32 @!p0 $0x1;
	s4 =	smul.u32 @p1 $0xA000, s12  }
0x98: {  	_ =	swait.ge @!p0 [sflag:s3], $0x2800  }
0x99: {  	[sflag:s3] =	ssyncset.done @!p0 $0x0;
	s4 =	sshrl.u32 @p1 s4, $0x2  }
0x9a: {  	[sflag:s3] =	ssyncadd.s32 @!p0 $0xFFFFD800;
	s3 =	sadd.s32 @p1 s4, s1;
	s4 =	simm.s32 @p1 $0x80  }
0x9b: {  	[tilespmem:s4], [sflag:$0x2] =	stream.linear.gather @p1 [spmem:s3], $0x2800, $0x38;
	[tilespmem:$0x18900] =	vst v63  }
0x9c: {  	s3 =	smul.u32 @p1 $0x2800, s12  }
0x9d: {  	s5 =	simm.s32 @p1 $0x2  }
0x9e: {  	_ =	swait.ge @p1 [sflag:s5], $0x2800;
	s3 =	sadd.s32 @p1 s7, s3  }
0x9f: {  	[sflag:s5] =	ssyncset.done @p1 $0x0;
	s3 =	sshrl.u32 @p1 s3, $0x3  }
0xa0: {  	[sflag:s5] =	ssyncadd.s32 @p1 $0xFFFFD800;
	s5 =	simm.s32 @p1 $0x0;
	s3 =	sadd.s32 @p1 s6, s3  }
0xa1: {  	[hbm4b:s3+s5] =	stream.linear.scatter @p1 [tilespmem:s4], [sflag:$0x1], $0x2800, $0x38;
	[tilespmem:$0x18900] =	vst v63  }
0xa2: {  	s3 =	simm.s32 @p1 $0x1;
	s4 =	smul.u32 @p5 $0xA000, s16  }
0xa3: {  	_ =	swait.ge @p1 [sflag:s3], $0x2800  }
0xa4: {  	[sflag:s3] =	ssyncset.done @p1 $0x0;
	s4 =	sshrl.u32 @p5 s4, $0x2  }
0xa5: {  	[sflag:s3] =	ssyncadd.s32 @p1 $0xFFFFD800;
	s3 =	sadd.s32 @p5 s4, s1;
	s4 =	simm.s32 @p5 $0x80  }
0xa6: {  	[tilespmem:s4], [sflag:$0x2] =	stream.linear.gather @p5 [spmem:s3], $0x2800, $0x38;
	[tilespmem:$0x18900] =	vst v63  }
0xa7: {  	s3 =	smul.u32 @p5 $0x2800, s16  }
0xa8: {  	s5 =	simm.s32 @p5 $0x2  }
0xa9: {  	_ =	swait.ge @p5 [sflag:s5], $0x2800;
	s3 =	sadd.s32 @p5 s7, s3  }
0xaa: {  	[sflag:s5] =	ssyncset.done @p5 $0x0;
	s3 =	sshrl.u32 @p5 s3, $0x3  }
0xab: {  	[sflag:s5] =	ssyncadd.s32 @p5 $0xFFFFD800;
	s5 =	simm.s32 @p5 $0x0;
	s3 =	sadd.s32 @p5 s6, s3  }
0xac: {  	[hbm4b:s3+s5] =	stream.linear.scatter @p5 [tilespmem:s4], [sflag:$0x1], $0x2800, $0x38;
	[tilespmem:$0x18900] =	vst v63  }
0xad: {  	s3 =	simm.s32 @p5 $0x1  }
0xae: {  	_ =	swait.ge @p5 [sflag:s3], $0x2800  }
0xaf: {  	s0 =	sadd.s32 $0x1, s0;
	s8 =	rddreg [dreg:$0x6]  }
0xb0: {  	p6 =	sne.s32 s0, s8  }
.Ltmp1:
0xb1: {  	_ = 	snop;
	(pc) =	sbr.rel @p6 .LBB2_1-.Ltmp1, $3  }
0xb2: {  	_ =	sdelay $0x1  }
0xb3: {  	[sflag:s3] =	ssyncset.done @p5 $0x0  }
0xb4: {  	[sflag:s3] =	ssyncadd.s32 @p5 $0xFFFFD800  }
0xb5: {  	_ =	sfence.sel $0x180000  }
0xb6: {  	[bflag:$0x0] =	sbarrier.arrive $0xFFFF  }
0xb7: {  	_ =	strace $0x9000004A  }
0xb8: {  	s0 =	stileid.u32;
	[bflag:$0x2] =	sbarrier.arrive $0xFFFF  }
0xb9: {  	p0 =	sne.s32 s0, $0x0;
	s0 =	rddreg [dreg:$0x3]  }
0xba: {  	s0 =	sadd.s32 @!p0 $0x100000, s0  }
0xbb: {  	[sflag:s0] =	ssyncadd.tile.s32 @!p0 $0x1;
	_ =	shalt  }
.Lfunc_end2:
_tile_overlayer_lowered:
.L_overlay_start_2:
0xbc: {  	(tag) =	ssettag $0x2  }
0xbd: {  	s0 =	rddreg [dreg:$0x0];
	s2 =	stileid.u32  }
0xbe: {  	s1 =	rddreg [dreg:$0x1];
	p0 =	sne.s32 s2, $0x0  }
0xbf: {  	s3 =	rddreg [dreg:$0x2];
	[bflag:$0x3] =	sbarrier.arrive $0xFFFF;
	s2 =	simm.s32 @!p0 $0x1C01  }
0xc0: {  	[timem:s3], [sflag:s2] =	dma.local @!p0 [hbm:s0], s1  }
0xc1: {  	s0 =	simm.s32 @!p0 $0x1  }
0xc2: {  	_ =	swait.ge @!p0 [sflag:s0], s1  }
0xc3: {  	s1 =	ssub.s32 @!p0 $0x0, s1;
	[sflag:s0] =	ssyncset.done @!p0 $0x0  }
0xc4: {  	[sflag:s0] =	ssyncadd.s32 @!p0 s1  }
0xc5: {  	[bflag:$0x3] =	sbarrier.arrive $0xFFFF  }
0xc6: {  	_ =	shalt  }

</sc_bundles>
